<compile_context>
chip_gen: v7x
topology: tpu7x:2x2x1
jax: 0.10.2.dev20260603
libtpu: 0.0.44.dev20260713+nightly
codegen_flags: <defaults>
</compile_context>

<pallas_src>
import jax
import jax.numpy as jnp
from jax.experimental import pallas as pl
from jax.experimental.pallas import tpu as pltpu

_BR = 256


def _gcn_colsum_body(adj_ref, x_ref, w_ref, b_ref, a_ref, out_ref, f_scr):
    r = pl.program_id(1)

    @pl.when(r == 0)
    def _():
        f_scr[:] = jnp.dot(x_ref[0, 0], w_ref[:],
                           preferred_element_type=jnp.float32)

    y = jnp.dot(adj_ref[0, 0], f_scr[:], preferred_element_type=jnp.float32)
    y = y + b_ref[:]
    a = a_ref[0, 0]
    y = jnp.where(y >= 0, y, a * y)
    cs = jnp.sum(y, axis=0, keepdims=True)

    @pl.when(r == 0)
    def _():
        out_ref[0] = cs

    @pl.when(r > 0)
    def _():
        out_ref[0] += cs


def _gcn_colsum(adj_list, x_list, W, b, a, nt):
    n = adj_list.shape[2]
    k = x_list.shape[3]
    h = W.shape[1]
    nr = n // _BR
    return pl.pallas_call(
        _gcn_colsum_body,
        grid=(nt, nr),
        in_specs=[
            pl.BlockSpec((1, 1, _BR, n), lambda t, r: (t, 0, r, 0)),
            pl.BlockSpec((1, 1, n, k), lambda t, r: (t, 0, 0, 0)),
            pl.BlockSpec((k, h), lambda t, r: (0, 0)),
            pl.BlockSpec((1, h), lambda t, r: (0, 0)),
            pl.BlockSpec((1, 1), lambda t, r: (0, 0)),
        ],
        out_specs=pl.BlockSpec((1, 1, h), lambda t, r: (t, 0, 0)),
        out_shape=jax.ShapeDtypeStruct((nt, 1, h), jnp.float32),
        scratch_shapes=[pltpu.VMEM((n, h), jnp.float32)],
    )(adj_list, x_list, W, b.reshape(1, h), a.reshape(1, 1)).reshape(nt, h)


def _gcn_last_body(adj_ref, x_ref, fu_ref, w_ref, b_ref, a_ref,
                   y_ref, cs_ref, f_scr):
    r = pl.program_id(0)
    h = w_ref.shape[1]

    @pl.when(r == 0)
    def _():
        f_scr[:, :h] = jnp.dot(x_ref[0, 0], w_ref[:],
                               preferred_element_type=jnp.float32)
        f_scr[:, h:] = jnp.dot(fu_ref[0], w_ref[:],
                               preferred_element_type=jnp.float32)

    y = jnp.dot(adj_ref[0, 0], f_scr[:], preferred_element_type=jnp.float32)
    y = y + jnp.concatenate([b_ref[:], b_ref[:]], axis=1)
    a = a_ref[0, 0]
    y = jnp.where(y >= 0, y, a * y)
    y_ref[:] = y
    cs = jnp.sum(y[:, :h], axis=0, keepdims=True)

    @pl.when(r == 0)
    def _():
        cs_ref[:] = cs

    @pl.when(r > 0)
    def _():
        cs_ref[:] += cs


def _gcn_last(adj_list, x_list, fu_x, W, b, a):
    n = adj_list.shape[2]
    k = x_list.shape[3]
    h = W.shape[1]
    nr = n // _BR
    t_last = adj_list.shape[0] - 1
    return pl.pallas_call(
        _gcn_last_body,
        grid=(nr,),
        in_specs=[
            pl.BlockSpec((1, 1, _BR, n), lambda r: (t_last, 0, r, 0)),
            pl.BlockSpec((1, 1, n, k), lambda r: (t_last, 0, 0, 0)),
            pl.BlockSpec((1, n, k), lambda r: (0, 0, 0)),
            pl.BlockSpec((k, h), lambda r: (0, 0)),
            pl.BlockSpec((1, h), lambda r: (0, 0)),
            pl.BlockSpec((1, 1), lambda r: (0, 0)),
        ],
        out_specs=[
            pl.BlockSpec((_BR, 2 * h), lambda r: (r, 0)),
            pl.BlockSpec((1, h), lambda r: (0, 0)),
        ],
        out_shape=[
            jax.ShapeDtypeStruct((n, 2 * h), jnp.float32),
            jax.ShapeDtypeStruct((1, h), jnp.float32),
        ],
        scratch_shapes=[pltpu.VMEM((n, 2 * h), jnp.float32)],
    )(adj_list, x_list, fu_x, W, b.reshape(1, h), a.reshape(1, 1))


def _tail_body(csa_ip_ref, csa_e_ref, csb_ip_ref, csb_e_ref,
               y_ip_ref, y_e_ref, msk_ref,
               w_iht_ref, w_hht_ref, b_ih_ref, b_hh_ref, w_dt_ref,
               mean_ref, last_ref, sc1ip_ref, sc1e_ref,
               sip2_ref, se2_ref, w_ref):
    s_msk = jnp.sum(msk_ref[:])
    c0 = jax.nn.sigmoid((csa_ip_ref[0:1] + csa_e_ref[0:1]) / s_msk)
    c1 = jax.nn.sigmoid((csa_ip_ref[1:2] + csa_e_ref[1:2]) / s_msk)
    c2 = jax.nn.sigmoid((csb_ip_ref[:] + csb_e_ref[:]) / s_msk)

    b_gates = b_ih_ref[:] + b_hh_ref[:]
    h = jnp.zeros_like(c0)
    c = jnp.zeros_like(c0)
    hs = []
    for x in (c0, c1, c2):
        gates = (jnp.dot(x, w_iht_ref[:], preferred_element_type=jnp.float32)
                 + jnp.dot(h, w_hht_ref[:],
                           preferred_element_type=jnp.float32)
                 + b_gates)
        gi = jax.nn.sigmoid(gates[:, 0:64])
        gf = jax.nn.sigmoid(gates[:, 64:128])
        gg = jnp.tanh(gates[:, 128:192])
        go = jax.nn.sigmoid(gates[:, 192:256])
        c = gf * c + gi * gg
        h = go * jnp.tanh(c)
        hs.append(h)
    mean_ref[:] = (hs[0] + hs[1]) * 0.5
    last_ref[:] = hs[2]

    v1 = jnp.dot(c2, w_dt_ref[:], preferred_element_type=jnp.float32)
    dims = (((1,), (1,)), ((), ()))
    y_ip = y_ip_ref[:]
    y_e = y_e_ref[:]
    sc1ip_ref[:] = jax.lax.dot_general(
        y_ip[:, 0:64], v1, dims, preferred_element_type=jnp.float32)
    sc1e_ref[:] = jax.lax.dot_general(
        y_e[:, 0:64], v1, dims, preferred_element_type=jnp.float32)
    sip2_ref[:] = jax.lax.dot_general(
        y_ip[:, 64:128], v1, dims, preferred_element_type=jnp.float32)
    se2_ref[:] = jax.lax.dot_general(
        y_e[:, 64:128], v1, dims, preferred_element_type=jnp.float32)

    diff = y_e[:, 64:128] - c2
    w_ref[:] = jnp.sqrt(jnp.sum(diff * diff, axis=1, keepdims=True))


def _tail(csa_ip, csa_e, csb_ip, csb_e, y_ip, y_e, msk,
          W_ih, W_hh, b_ih, b_hh, W_d):
    n = y_ip.shape[0]
    outs = pl.pallas_call(
        _tail_body,
        out_shape=[
            jax.ShapeDtypeStruct((1, 64), jnp.float32),
            jax.ShapeDtypeStruct((1, 64), jnp.float32),
            jax.ShapeDtypeStruct((n, 1), jnp.float32),
            jax.ShapeDtypeStruct((n, 1), jnp.float32),
            jax.ShapeDtypeStruct((n, 1), jnp.float32),
            jax.ShapeDtypeStruct((n, 1), jnp.float32),
            jax.ShapeDtypeStruct((n, 1), jnp.float32),
        ],
    )(csa_ip, csa_e, csb_ip, csb_e, y_ip, y_e, msk,
      W_ih.T, W_hh.T, b_ih.reshape(1, -1), b_hh.reshape(1, -1), W_d[0].T)
    return outs


def _gather_body(idx_ref, val_ref, out_ref):
    idx = idx_ref[0, 0]
    n = val_ref.shape[0]
    iota = jax.lax.broadcasted_iota(jnp.int32, (idx.shape[0], n), 1)
    onehot = (idx[:, None] == iota).astype(jnp.float32)
    out_ref[0] = jnp.dot(onehot, val_ref[:],
                         preferred_element_type=jnp.float32)


def _gather(idx, vals):
    m = idx.shape[0]
    n = vals.shape[0]
    bg = 256
    nb = m // bg
    out = pl.pallas_call(
        _gather_body,
        grid=(nb,),
        in_specs=[
            pl.BlockSpec((1, 1, bg), lambda i: (i, 0, 0)),
            pl.BlockSpec((n, 1), lambda i: (0, 0)),
        ],
        out_specs=pl.BlockSpec((1, bg, 1), lambda i: (i, 0, 0)),
        out_shape=jax.ShapeDtypeStruct((nb, bg, 1), jnp.float32),
    )(idx.reshape(nb, 1, bg).astype(jnp.int32), vals)
    return out.reshape(m)


def kernel(ip_adj_list, ip_x_list, fu_ip_x, e_adj_list, e_x_list, fu_e_x,
           sparse, msk, samp_bias1, samp_bias2, W_ip, b_ip, a_ip,
           W_e, b_e, a_e, W_d, b_d, W_ih, W_hh, b_ih, b_hh):
    nt = ip_adj_list.shape[0]
    n = ip_adj_list.shape[2]

    csa_ip = _gcn_colsum(ip_adj_list, ip_x_list, W_ip, b_ip, a_ip, nt - 1)
    csa_e = _gcn_colsum(e_adj_list, e_x_list, W_e, b_e, a_e, nt - 1)
    y_ip, csb_ip = _gcn_last(ip_adj_list, ip_x_list, fu_ip_x, W_ip, b_ip, a_ip)
    y_e, csb_e = _gcn_last(e_adj_list, e_x_list, fu_e_x, W_e, b_e, a_e)

    (mean_h, last_h, sc1ip, sc1e, sip2, se2, w_col) = _tail(
        csa_ip, csa_e, csb_ip, csb_e, y_ip, y_e, msk,
        W_ih, W_hh, b_ih, b_hh, W_d)

    w = w_col[:, 0]
    idx = jax.random.choice(jax.random.key(42), n, shape=(n // 2,),
                            replace=True, p=w / jnp.sum(w))
    sc2_e = _gather(idx, se2)

    sc_1 = jnp.concatenate([sc1ip[:, 0], sc1e[:, 0]])[None, :] + b_d[0] \
        + samp_bias1
    sc_2 = jnp.concatenate([sip2[:, 0], sc2_e])[None, :] + b_d[0] + samp_bias2
    ret = jnp.concatenate([sc_1, sc_2], axis=1)
    return (ret, mean_h, last_h)

# --- scband reference (transcript-rebuilt; emitter-appended) ---
"""Pipeline reference for scband-dgi-83648783057025 (READ-ONLY COPY).

The authoritative reference and input builder live on the scoring server;
editing this copy changes nothing except your own understanding.
"""

import jax, jax.numpy as jnp
import numpy as np

IP_IN = 128
E_IN = 128
N_H = 64
OUTD = 64
N = 4096
T = 3

def _prelu(x, a):
    return jnp.where(x >= 0, x, a * x)

def _gcn(seq, adj, W, b, a):
    fts = jnp.matmul(seq, W)
    out = jnp.matmul(adj, fts) + b
    return _prelu(out, a)

def _read(seq, msk):
    return jnp.sum(seq * msk[..., None], axis=1) / jnp.sum(msk)

def _bilinear(x1, x2, W, b):
    return jnp.einsum('bni,ij,bnj->bn', x1, W[0], x2) + b[0]

def _lstm(xs, W_ih, W_hh, b_ih, b_hh):
    H = W_hh.shape[1]
    def step(carry, x):
        h, c = carry
        gates = x @ W_ih.T + h @ W_hh.T + b_ih + b_hh
        i, f, g, o = jnp.split(gates, 4, axis=-1)
        c = jax.nn.sigmoid(f) * c + jax.nn.sigmoid(i) * jnp.tanh(g)
        h = jax.nn.sigmoid(o) * jnp.tanh(c)
        return (h, c), h
    h0 = jnp.zeros((xs.shape[1], H), xs.dtype)
    _, out = jax.lax.scan(step, (h0, h0), xs)
    return out

def setup_inputs(seed=0):
    ks = jax.random.split(jax.random.key(seed), 16)
    s = 1.0 / np.sqrt(N_H)
    so = 1.0 / np.sqrt(OUTD)
    return {
        'ip_adj_list': jax.random.uniform(ks[0], (T, 1, N, N), jnp.float32),
        'ip_x_list': jax.random.normal(ks[1], (T, 1, N, IP_IN), jnp.float32),
        'fu_ip_x': jax.random.normal(ks[2], (1, N, IP_IN), jnp.float32),
        'e_adj_list': jax.random.uniform(ks[3], (T, 1, N, N), jnp.float32),
        'e_x_list': jax.random.normal(ks[4], (T, 1, N, E_IN), jnp.float32),
        'fu_e_x': jax.random.normal(ks[5], (1, N, E_IN), jnp.float32),
        'sparse': 0,
        'msk': jnp.ones((1, 2 * N), jnp.float32),
        'samp_bias1': jnp.zeros((1, 2 * N), jnp.float32),
        'samp_bias2': jnp.zeros((1, N + N // 2), jnp.float32),
        'W_ip': jax.random.uniform(ks[6], (IP_IN, N_H), jnp.float32, minval=-s, maxval=s),
        'b_ip': jnp.zeros((N_H,), jnp.float32),
        'a_ip': jnp.full((1,), 0.25, jnp.float32),
        'W_e': jax.random.uniform(ks[7], (E_IN, N_H), jnp.float32, minval=-s, maxval=s),
        'b_e': jnp.zeros((N_H,), jnp.float32),
        'a_e': jnp.full((1,), 0.25, jnp.float32),
        'W_d': jax.random.uniform(ks[8], (1, N_H, N_H), jnp.float32, minval=-s, maxval=s),
        'b_d': jnp.zeros((1,), jnp.float32),
        'W_ih': jax.random.uniform(ks[9], (4 * OUTD, N_H), jnp.float32, minval=-so, maxval=so),
        'W_hh': jax.random.uniform(ks[10], (4 * OUTD, OUTD), jnp.float32, minval=-so, maxval=so),
        'b_ih': jax.random.uniform(ks[11], (4 * OUTD,), jnp.float32, minval=-so, maxval=so),
        'b_hh': jax.random.uniform(ks[12], (4 * OUTD,), jnp.float32, minval=-so, maxval=so),
    }

def reference(ip_adj_list, ip_x_list, fu_ip_x, e_adj_list, e_x_list, fu_e_x, sparse, msk, samp_bias1, samp_bias2, W_ip, b_ip, a_ip, W_e, b_e, a_e, W_d, b_d, W_ih, W_hh, b_ih, b_hh):
    graph_embs = []
    c = None
    true_h = None
    for i in range(ip_adj_list.shape[0]):
        ip1 = _gcn(ip_x_list[i], ip_adj_list[i], W_ip, b_ip, a_ip)
        e1 = _gcn(e_x_list[i], e_adj_list[i], W_e, b_e, a_e)
        true_h = jnp.concatenate((ip1, e1), axis=1)
        c = jax.nn.sigmoid(_read(true_h, msk))
        graph_embs.append(c)
    out = _lstm(jnp.stack(graph_embs), W_ih, W_hh, b_ih, b_hh)
    ip2 = _gcn(fu_ip_x, ip_adj_list[-1], W_ip, b_ip, a_ip)
    e2 = _gcn(fu_e_x, e_adj_list[-1], W_e, b_e, a_e)
    dc = jnp.broadcast_to(c[:, None, :], e2.shape)
    d = jnp.sqrt(jnp.sum((e2 - dc) ** 2, axis=2))
    w = jax.lax.stop_gradient(d[0])
    nn_ = e2.shape[1]
    idx = jax.random.choice(jax.random.key(42), nn_, shape=(nn_ // 2,), replace=True, p=w / jnp.sum(w))
    e2s = e2[:, idx]
    false_h = jnp.concatenate((ip2, e2s), axis=1)
    sc_1 = _bilinear(true_h, jnp.broadcast_to(c[:, None, :], true_h.shape), W_d, b_d) + samp_bias1
    sc_2 = _bilinear(false_h, jnp.broadcast_to(c[:, None, :], false_h.shape), W_d, b_d) + samp_bias2
    ret = jnp.concatenate((sc_1, sc_2), axis=1)
    return (ret, jnp.mean(out[:-1], axis=0), out[-1])

if __name__ == "__main__":
    import jax
    _d = setup_inputs()
    print(jax.jit(kernel)(*tuple(_d.values())))

</pallas_src>

<mosaic_0001>
module attributes {stable_mosaic.version = 14 : i64} {
  func.func @_gcn_colsum_body(%arg0: i32, %arg1: i32, %arg2: memref<1x1x256x4096xf32, #tpu.memory_space<vmem>>, %arg3: memref<1x1x4096x128xf32, #tpu.memory_space<vmem>>, %arg4: memref<128x64xf32, #tpu.memory_space<vmem>>, %arg5: memref<1x64xf32, #tpu.memory_space<vmem>>, %arg6: memref<1x1xf32, #tpu.memory_space<vmem>>, %arg7: memref<1x1x64xf32, #tpu.memory_space<vmem>>, %arg8: memref<4096x64xf32, #tpu.memory_space<vmem>>) attributes {dimension_semantics = [#tpu.dimension_semantics<arbitrary>, #tpu.dimension_semantics<arbitrary>], iteration_bounds = array<i64: 2, 16>, scalar_prefetch = 0 : i64, scratch_operands = 1 : i64, tpu.core_type = #tpu.core_type<tc>, window_params = [{transform_indices = @transform_0, window_bounds = array<i64: 1, 1, 256, 4096>}, {transform_indices = @transform_1, window_bounds = array<i64: 1, 1, 4096, 128>}, {pipeline_mode = #tpu.pipeline_mode<synchronous>, transform_indices = @transform_2, window_bounds = array<i64: 128, 64>}, {pipeline_mode = #tpu.pipeline_mode<synchronous>, transform_indices = @transform_3, window_bounds = array<i64: 1, 64>}, {pipeline_mode = #tpu.pipeline_mode<synchronous>, transform_indices = @transform_4, window_bounds = array<i64: 1, 1>}, {transform_indices = @transform_5, window_bounds = array<i64: 1, 1, 64>}]} {
    %eq3A = arith.constant 0 : i32
    %eq3A_0 = arith.cmpi eq, %arg1, %eq3A : i32
    %convert_element_type3A = arith.extui %eq3A_0 : i1 to i32
    %cond3A = arith.constant 0 : i32
    %cond3A_1 = arith.cmpi ne, %convert_element_type3A, %cond3A : i32
    scf.if %cond3A_1 {
      %get3A_32 = arith.constant 0 : index
      %get3A_33 = arith.constant 0 : index
      %get3A_34 = arith.constant 0 : index
      %get3A_35 = arith.constant 0 : index
      %get3A_36 = vector.load %arg3[%get3A_32, %get3A_33, %get3A_34, %get3A_35] : memref<1x1x4096x128xf32, #tpu.memory_space<vmem>>, vector<1x1x4096x128xf32>
      %get3A_37 = vector.shape_cast %get3A_36 : vector<1x1x4096x128xf32> to vector<4096x128xf32>
      %get3A_38 = arith.constant 0 : index
      %get3A_39 = arith.constant 0 : index
      %get3A_40 = vector.load %arg4[%get3A_38, %get3A_39] : memref<128x64xf32, #tpu.memory_space<vmem>>, vector<128x64xf32>
      %dot_general3A_41 = arith.constant dense<0.000000e+00> : vector<4096x64xf32>
      %dot_general3A_42 = tpu.matmul %get3A_37, %get3A_40, %dot_general3A_41 {dimension_numbers = #tpu.dot_dimension_numbers<[1], [0], [0], [1], [0, 0, 1, 1], [], []>, transpose_lhs_hint = false} : vector<4096x128xf32>, vector<128x64xf32>, vector<4096x64xf32> -> vector<4096x64xf32>
      %swap3A = arith.constant 0 : index
      %swap3A_43 = arith.constant 0 : index
      %swap3A_44 = vector.load %arg8[%swap3A, %swap3A_43] : memref<4096x64xf32, #tpu.memory_space<vmem>>, vector<4096x64xf32>
      tpu.vector_store %arg8[%swap3A, %swap3A_43], %dot_general3A_42 {strides = array<i32>} : memref<4096x64xf32, #tpu.memory_space<vmem>>, vector<4096x64xf32>,
    } else {
    }
    %get3A = arith.constant 0 : index
    %get3A_2 = arith.constant 0 : index
    %get3A_3 = arith.constant 0 : index
    %get3A_4 = arith.constant 0 : index
    %get3A_5 = vector.load %arg2[%get3A, %get3A_2, %get3A_3, %get3A_4] : memref<1x1x256x4096xf32, #tpu.memory_space<vmem>>, vector<1x1x256x4096xf32>
    %get3A_6 = vector.shape_cast %get3A_5 : vector<1x1x256x4096xf32> to vector<256x4096xf32>
    %get3A_7 = arith.constant 0 : index
    %get3A_8 = arith.constant 0 : index
    %get3A_9 = vector.load %arg8[%get3A_7, %get3A_8] : memref<4096x64xf32, #tpu.memory_space<vmem>>, vector<4096x64xf32>
    %dot_general3A = arith.constant dense<0.000000e+00> : vector<256x64xf32>
    %dot_general3A_10 = tpu.matmul %get3A_6, %get3A_9, %dot_general3A {dimension_numbers = #tpu.dot_dimension_numbers<[1], [0], [0], [1], [0, 0, 1, 1], [], []>, transpose_lhs_hint = false} : vector<256x4096xf32>, vector<4096x64xf32>, vector<256x64xf32> -> vector<256x64xf32>
    %get3A_11 = arith.constant 0 : index
    %get3A_12 = arith.constant 0 : index
    %get3A_13 = vector.load %arg5[%get3A_11, %get3A_12] : memref<1x64xf32, #tpu.memory_space<vmem>>, vector<1x64xf32>
    %add3A = vector.broadcast %get3A_13 : vector<1x64xf32> to vector<256x64xf32>
    %add3A_14 = arith.addf %dot_general3A_10, %add3A : vector<256x64xf32>
    %get3A_15 = arith.constant 0 : index
    %get3A_16 = arith.constant 0 : index
    %get3A_17 = vector.load %arg6[%get3A_15, %get3A_16] : memref<1x1xf32, #tpu.memory_space<vmem>>, vector<1x1xf32>
    %get3A_18 = vector.extract %get3A_17[0, 0] : f32 from vector<1x1xf32>
    %ge3A = arith.constant 0.000000e+00 : f32
    %ge3A_19 = vector.broadcast %ge3A : f32 to vector<256x64xf32>
    %ge3A_20 = arith.cmpf oge, %add3A_14, %ge3A_19 : vector<256x64xf32>
    %mul3A = vector.broadcast %get3A_18 : f32 to vector<256x64xf32>
    %mul3A_21 = arith.mulf %mul3A, %add3A_14 : vector<256x64xf32>
    %select_n3A = arith.select %ge3A_20, %add3A_14, %mul3A_21 : vector<256x64xi1>, vector<256x64xf32>
    %reduce_sum3A = arith.constant dense<0.000000e+00> : vector<64xf32>
    %reduce_sum3A_22 = vector.multi_reduction <add>, %select_n3A, %reduce_sum3A [0] : vector<256x64xf32> to vector<64xf32>
    %broadcast_in_dim3A = vector.shape_cast %reduce_sum3A_22 : vector<64xf32> to vector<1x64xf32>
    %eq3A_23 = arith.constant 0 : i32
    %eq3A_24 = arith.cmpi eq, %arg1, %eq3A_23 : i32
    %convert_element_type3A_25 = arith.extui %eq3A_24 : i1 to i32
    %cond3A_26 = arith.constant 0 : i32
    %cond3A_27 = arith.cmpi ne, %convert_element_type3A_25, %cond3A_26 : i32
    scf.if %cond3A_27 {
      %swap3A = arith.constant 0 : index
      %swap3A_32 = arith.constant 0 : index
      %swap3A_33 = arith.constant 0 : index
      %swap3A_34 = vector.load %arg7[%swap3A, %swap3A_32, %swap3A_33] : memref<1x1x64xf32, #tpu.memory_space<vmem>>, vector<1x1x64xf32>
      %swap3A_35 = vector.shape_cast %swap3A_34 : vector<1x1x64xf32> to vector<1x64xf32>
      %swap3A_36 = vector.shape_cast %broadcast_in_dim3A : vector<1x64xf32> to vector<1x1x64xf32>
      tpu.vector_store %arg7[%swap3A, %swap3A_32, %swap3A_33], %swap3A_36 {strides = array<i32>} : memref<1x1x64xf32, #tpu.memory_space<vmem>>, vector<1x1x64xf32>,
    } else {
    }
    %gt3A = arith.constant 0 : i32
    %gt3A_28 = arith.cmpi sgt, %arg1, %gt3A : i32
    %convert_element_type3A_29 = arith.extui %gt3A_28 : i1 to i32
    %cond3A_30 = arith.constant 0 : i32
    %cond3A_31 = arith.cmpi ne, %convert_element_type3A_29, %cond3A_30 : i32
    scf.if %cond3A_31 {
      %get3A_32 = arith.constant 0 : index
      %get3A_33 = arith.constant 0 : index
      %get3A_34 = arith.constant 0 : index
      %get3A_35 = vector.load %arg7[%get3A_32, %get3A_33, %get3A_34] : memref<1x1x64xf32, #tpu.memory_space<vmem>>, vector<1x1x64xf32>
      %get3A_36 = vector.shape_cast %get3A_35 : vector<1x1x64xf32> to vector<1x64xf32>
      %add3A_37 = arith.addf %get3A_36, %broadcast_in_dim3A : vector<1x64xf32>
      %swap3A = arith.constant 0 : index
      %swap3A_38 = arith.constant 0 : index
      %swap3A_39 = arith.constant 0 : index
      %swap3A_40 = vector.load %arg7[%swap3A, %swap3A_38, %swap3A_39] : memref<1x1x64xf32, #tpu.memory_space<vmem>>, vector<1x1x64xf32>
      %swap3A_41 = vector.shape_cast %swap3A_40 : vector<1x1x64xf32> to vector<1x64xf32>
      %swap3A_42 = vector.shape_cast %add3A_37 : vector<1x64xf32> to vector<1x1x64xf32>
      tpu.vector_store %arg7[%swap3A, %swap3A_38, %swap3A_39], %swap3A_42 {strides = array<i32>} : memref<1x1x64xf32, #tpu.memory_space<vmem>>, vector<1x1x64xf32>,
    } else {
    }
    return
  }
  func.func @transform_0(%arg0: i32, %arg1: i32) -> (i32, i32, i32, i32) {
    %c0_i32 = arith.constant 0 : i32
    %c0_i32_0 = arith.constant 0 : i32
    %c0_i32_1 = arith.constant 0 : i32
    return %arg0, %c0_i32, %arg1, %c0_i32_0 : i32, i32, i32, i32
  }
  func.func @transform_1(%arg0: i32, %arg1: i32) -> (i32, i32, i32, i32) {
    %c0_i32 = arith.constant 0 : i32
    %c0_i32_0 = arith.constant 0 : i32
    %c0_i32_1 = arith.constant 0 : i32
    %c0_i32_2 = arith.constant 0 : i32
    return %arg0, %c0_i32, %c0_i32_0, %c0_i32_1 : i32, i32, i32, i32
  }
  func.func @transform_2(%arg0: i32, %arg1: i32) -> (i32, i32) {
    %c0_i32 = arith.constant 0 : i32
    %c0_i32_0 = arith.constant 0 : i32
    %c0_i32_1 = arith.constant 0 : i32
    return %c0_i32, %c0_i32_0 : i32, i32
  }
  func.func @transform_3(%arg0: i32, %arg1: i32) -> (i32, i32) {
    %c0_i32 = arith.constant 0 : i32
    %c0_i32_0 = arith.constant 0 : i32
    %c0_i32_1 = arith.constant 0 : i32
    return %c0_i32, %c0_i32_0 : i32, i32
  }
  func.func @transform_4(%arg0: i32, %arg1: i32) -> (i32, i32) {
    %c0_i32 = arith.constant 0 : i32
    %c0_i32_0 = arith.constant 0 : i32
    %c0_i32_1 = arith.constant 0 : i32
    return %c0_i32, %c0_i32_0 : i32, i32
  }
  func.func @transform_5(%arg0: i32, %arg1: i32) -> (i32, i32, i32) {
    %c0_i32 = arith.constant 0 : i32
    %c0_i32_0 = arith.constant 0 : i32
    %c0_i32_1 = arith.constant 0 : i32
    return %arg0, %c0_i32, %c0_i32_0 : i32, i32, i32
  }
}

module attributes {stable_mosaic.version = 14 : i64} {
  func.func @_gcn_last_body(%arg0: i32, %arg1: memref<1x1x256x4096xf32, #tpu.memory_space<vmem>>, %arg2: memref<1x1x4096x128xf32, #tpu.memory_space<vmem>>, %arg3: memref<1x4096x128xf32, #tpu.memory_space<vmem>>, %arg4: memref<128x64xf32, #tpu.memory_space<vmem>>, %arg5: memref<1x64xf32, #tpu.memory_space<vmem>>, %arg6: memref<1x1xf32, #tpu.memory_space<vmem>>, %arg7: memref<256x128xf32, #tpu.memory_space<vmem>>, %arg8: memref<1x64xf32, #tpu.memory_space<vmem>>, %arg9: memref<4096x128xf32, #tpu.memory_space<vmem>>) attributes {dimension_semantics = [#tpu.dimension_semantics<arbitrary>], iteration_bounds = array<i64: 16>, scalar_prefetch = 0 : i64, scratch_operands = 1 : i64, tpu.core_type = #tpu.core_type<tc>, window_params = [{transform_indices = @transform_0, window_bounds = array<i64: 1, 1, 256, 4096>}, {transform_indices = @transform_1, window_bounds = array<i64: 1, 1, 4096, 128>}, {pipeline_mode = #tpu.pipeline_mode<synchronous>, transform_indices = @transform_2, window_bounds = array<i64: 1, 4096, 128>}, {pipeline_mode = #tpu.pipeline_mode<synchronous>, transform_indices = @transform_3, window_bounds = array<i64: 128, 64>}, {pipeline_mode = #tpu.pipeline_mode<synchronous>, transform_indices = @transform_4, window_bounds = array<i64: 1, 64>}, {pipeline_mode = #tpu.pipeline_mode<synchronous>, transform_indices = @transform_5, window_bounds = array<i64: 1, 1>}, {transform_indices = @transform_6, window_bounds = array<i64: 256, 128>}, {pipeline_mode = #tpu.pipeline_mode<synchronous>, transform_indices = @transform_7, window_bounds = array<i64: 1, 64>}]} {
    %eq3A = arith.constant 0 : i32
    %eq3A_0 = arith.cmpi eq, %arg0, %eq3A : i32
    %convert_element_type3A = arith.extui %eq3A_0 : i1 to i32
    %cond3A = arith.constant 0 : i32
    %cond3A_1 = arith.cmpi ne, %convert_element_type3A, %cond3A : i32
    scf.if %cond3A_1 {
      %get3A_37 = arith.constant 0 : index
      %get3A_38 = arith.constant 0 : index
      %get3A_39 = arith.constant 0 : index
      %get3A_40 = arith.constant 0 : index
      %get3A_41 = vector.load %arg2[%get3A_37, %get3A_38, %get3A_39, %get3A_40] : memref<1x1x4096x128xf32, #tpu.memory_space<vmem>>, vector<1x1x4096x128xf32>
      %get3A_42 = vector.shape_cast %get3A_41 : vector<1x1x4096x128xf32> to vector<4096x128xf32>
      %get3A_43 = arith.constant 0 : index
      %get3A_44 = arith.constant 0 : index
      %get3A_45 = vector.load %arg4[%get3A_43, %get3A_44] : memref<128x64xf32, #tpu.memory_space<vmem>>, vector<128x64xf32>
      %dot_general3A_46 = arith.constant dense<0.000000e+00> : vector<4096x64xf32>
      %dot_general3A_47 = tpu.matmul %get3A_42, %get3A_45, %dot_general3A_46 {dimension_numbers = #tpu.dot_dimension_numbers<[1], [0], [0], [1], [0, 0, 1, 1], [], []>, transpose_lhs_hint = false} : vector<4096x128xf32>, vector<128x64xf32>, vector<4096x64xf32> -> vector<4096x64xf32>
      %swap3A_48 = arith.constant 0 : index
      %swap3A_49 = arith.constant 0 : index
      %swap3A_50 = vector.load %arg9[%swap3A_48, %swap3A_49] : memref<4096x128xf32, #tpu.memory_space<vmem>>, vector<4096x64xf32>
      tpu.vector_store %arg9[%swap3A_48, %swap3A_49], %dot_general3A_47 {strides = array<i32>} : memref<4096x128xf32, #tpu.memory_space<vmem>>, vector<4096x64xf32>,
      %get3A_51 = arith.constant 0 : index
      %get3A_52 = arith.constant 0 : index
      %get3A_53 = arith.constant 0 : index
      %get3A_54 = vector.load %arg3[%get3A_51, %get3A_52, %get3A_53] : memref<1x4096x128xf32, #tpu.memory_space<vmem>>, vector<1x4096x128xf32>
      %get3A_55 = vector.shape_cast %get3A_54 : vector<1x4096x128xf32> to vector<4096x128xf32>
      %get3A_56 = arith.constant 0 : index
      %get3A_57 = arith.constant 0 : index
      %get3A_58 = vector.load %arg4[%get3A_56, %get3A_57] : memref<128x64xf32, #tpu.memory_space<vmem>>, vector<128x64xf32>
      %dot_general3A_59 = arith.constant dense<0.000000e+00> : vector<4096x64xf32>
      %dot_general3A_60 = tpu.matmul %get3A_55, %get3A_58, %dot_general3A_59 {dimension_numbers = #tpu.dot_dimension_numbers<[1], [0], [0], [1], [0, 0, 1, 1], [], []>, transpose_lhs_hint = false} : vector<4096x128xf32>, vector<128x64xf32>, vector<4096x64xf32> -> vector<4096x64xf32>
      %swap3A_61 = arith.constant 0 : index
      %swap3A_62 = arith.constant 64 : index
      %swap3A_63 = vector.load %arg9[%swap3A_61, %swap3A_62] : memref<4096x128xf32, #tpu.memory_space<vmem>>, vector<4096x64xf32>
      tpu.vector_store %arg9[%swap3A_61, %swap3A_62], %dot_general3A_60 {strides = array<i32>} : memref<4096x128xf32, #tpu.memory_space<vmem>>, vector<4096x64xf32>,
    } else {
    }
    %get3A = arith.constant 0 : index
    %get3A_2 = arith.constant 0 : index
    %get3A_3 = arith.constant 0 : index
    %get3A_4 = arith.constant 0 : index
    %get3A_5 = vector.load %arg1[%get3A, %get3A_2, %get3A_3, %get3A_4] : memref<1x1x256x4096xf32, #tpu.memory_space<vmem>>, vector<1x1x256x4096xf32>
    %get3A_6 = vector.shape_cast %get3A_5 : vector<1x1x256x4096xf32> to vector<256x4096xf32>
    %get3A_7 = arith.constant 0 : index
    %get3A_8 = arith.constant 0 : index
    %get3A_9 = vector.load %arg9[%get3A_7, %get3A_8] : memref<4096x128xf32, #tpu.memory_space<vmem>>, vector<4096x128xf32>
    %dot_general3A = arith.constant dense<0.000000e+00> : vector<256x128xf32>
    %dot_general3A_10 = tpu.matmul %get3A_6, %get3A_9, %dot_general3A {dimension_numbers = #tpu.dot_dimension_numbers<[1], [0], [0], [1], [0, 0, 1, 1], [], []>, transpose_lhs_hint = false} : vector<256x4096xf32>, vector<4096x128xf32>, vector<256x128xf32> -> vector<256x128xf32>
    %get3A_11 = arith.constant 0 : index
    %get3A_12 = arith.constant 0 : index
    %get3A_13 = vector.load %arg5[%get3A_11, %get3A_12] : memref<1x64xf32, #tpu.memory_space<vmem>>, vector<1x64xf32>
    %get3A_14 = arith.constant 0 : index
    %get3A_15 = arith.constant 0 : index
    %get3A_16 = vector.load %arg5[%get3A_14, %get3A_15] : memref<1x64xf32, #tpu.memory_space<vmem>>, vector<1x64xf32>
    %concatenate3A = tpu.concatenate %get3A_13, %get3A_16 in 1 : vector<1x64xf32>, vector<1x64xf32> -> vector<1x128xf32>
    %add3A = vector.broadcast %concatenate3A : vector<1x128xf32> to vector<256x128xf32>
    %add3A_17 = arith.addf %dot_general3A_10, %add3A : vector<256x128xf32>
    %get3A_18 = arith.constant 0 : index
    %get3A_19 = arith.constant 0 : index
    %get3A_20 = vector.load %arg6[%get3A_18, %get3A_19] : memref<1x1xf32, #tpu.memory_space<vmem>>, vector<1x1xf32>
    %get3A_21 = vector.extract %get3A_20[0, 0] : f32 from vector<1x1xf32>
    %ge3A = arith.constant 0.000000e+00 : f32
    %ge3A_22 = vector.broadcast %ge3A : f32 to vector<256x128xf32>
    %ge3A_23 = arith.cmpf oge, %add3A_17, %ge3A_22 : vector<256x128xf32>
    %mul3A = vector.broadcast %get3A_21 : f32 to vector<256x128xf32>
    %mul3A_24 = arith.mulf %mul3A, %add3A_17 : vector<256x128xf32>
    %select_n3A = arith.select %ge3A_23, %add3A_17, %mul3A_24 : vector<256x128xi1>, vector<256x128xf32>
    %swap3A = arith.constant 0 : index
    %swap3A_25 = arith.constant 0 : index
    %swap3A_26 = vector.load %arg7[%swap3A, %swap3A_25] : memref<256x128xf32, #tpu.memory_space<vmem>>, vector<256x128xf32>
    tpu.vector_store %arg7[%swap3A, %swap3A_25], %select_n3A {strides = array<i32>} : memref<256x128xf32, #tpu.memory_space<vmem>>, vector<256x128xf32>,
    %slice3A = vector.extract_strided_slice %select_n3A {offsets = [0, 0], sizes = [256, 64], strides = [1, 1]} : vector<256x128xf32> to vector<256x64xf32>
    %reduce_sum3A = arith.constant dense<0.000000e+00> : vector<64xf32>
    %reduce_sum3A_27 = vector.multi_reduction <add>, %slice3A, %reduce_sum3A [0] : vector<256x64xf32> to vector<64xf32>
    %broadcast_in_dim3A = vector.shape_cast %reduce_sum3A_27 : vector<64xf32> to vector<1x64xf32>
    %eq3A_28 = arith.constant 0 : i32
    %eq3A_29 = arith.cmpi eq, %arg0, %eq3A_28 : i32
    %convert_element_type3A_30 = arith.extui %eq3A_29 : i1 to i32
    %cond3A_31 = arith.constant 0 : i32
    %cond3A_32 = arith.cmpi ne, %convert_element_type3A_30, %cond3A_31 : i32
    scf.if %cond3A_32 {
      %swap3A_37 = arith.constant 0 : index
      %swap3A_38 = arith.constant 0 : index
      %swap3A_39 = vector.load %arg8[%swap3A_37, %swap3A_38] : memref<1x64xf32, #tpu.memory_space<vmem>>, vector<1x64xf32>
      tpu.vector_store %arg8[%swap3A_37, %swap3A_38], %broadcast_in_dim3A {strides = array<i32>} : memref<1x64xf32, #tpu.memory_space<vmem>>, vector<1x64xf32>,
    } else {
    }
    %gt3A = arith.constant 0 : i32
    %gt3A_33 = arith.cmpi sgt, %arg0, %gt3A : i32
    %convert_element_type3A_34 = arith.extui %gt3A_33 : i1 to i32
    %cond3A_35 = arith.constant 0 : i32
    %cond3A_36 = arith.cmpi ne, %convert_element_type3A_34, %cond3A_35 : i32
    scf.if %cond3A_36 {
      %get3A_37 = arith.constant 0 : index
      %get3A_38 = arith.constant 0 : index
      %get3A_39 = vector.load %arg8[%get3A_37, %get3A_38] : memref<1x64xf32, #tpu.memory_space<vmem>>, vector<1x64xf32>
      %add3A_40 = arith.addf %get3A_39, %broadcast_in_dim3A : vector<1x64xf32>
      %swap3A_41 = arith.constant 0 : index
      %swap3A_42 = arith.constant 0 : index
      %swap3A_43 = vector.load %arg8[%swap3A_41, %swap3A_42] : memref<1x64xf32, #tpu.memory_space<vmem>>, vector<1x64xf32>
      tpu.vector_store %arg8[%swap3A_41, %swap3A_42], %add3A_40 {strides = array<i32>} : memref<1x64xf32, #tpu.memory_space<vmem>>, vector<1x64xf32>,
    } else {
    }
    return
  }
  func.func @transform_0(%arg0: i32) -> (i32, i32, i32, i32) {
    %c2_i32 = arith.constant 2 : i32
    %c0_i32 = arith.constant 0 : i32
    %c0_i32_0 = arith.constant 0 : i32
    %c0_i32_1 = arith.constant 0 : i32
    return %c2_i32, %c0_i32, %arg0, %c0_i32_0 : i32, i32, i32, i32
  }
  func.func @transform_1(%arg0: i32) -> (i32, i32, i32, i32) {
    %c2_i32 = arith.constant 2 : i32
    %c0_i32 = arith.constant 0 : i32
    %c0_i32_0 = arith.constant 0 : i32
    %c0_i32_1 = arith.constant 0 : i32
    %c0_i32_2 = arith.constant 0 : i32
    return %c2_i32, %c0_i32, %c0_i32_0, %c0_i32_1 : i32, i32, i32, i32
  }
  func.func @transform_2(%arg0: i32) -> (i32, i32, i32) {
    %c0_i32 = arith.constant 0 : i32
    %c0_i32_0 = arith.constant 0 : i32
    %c0_i32_1 = arith.constant 0 : i32
    %c0_i32_2 = arith.constant 0 : i32
    return %c0_i32, %c0_i32_0, %c0_i32_1 : i32, i32, i32
  }
  func.func @transform_3(%arg0: i32) -> (i32, i32) {
    %c0_i32 = arith.constant 0 : i32
    %c0_i32_0 = arith.constant 0 : i32
    %c0_i32_1 = arith.constant 0 : i32
    return %c0_i32, %c0_i32_0 : i32, i32
  }
  func.func @transform_4(%arg0: i32) -> (i32, i32) {
    %c0_i32 = arith.constant 0 : i32
    %c0_i32_0 = arith.constant 0 : i32
    %c0_i32_1 = arith.constant 0 : i32
    return %c0_i32, %c0_i32_0 : i32, i32
  }
  func.func @transform_5(%arg0: i32) -> (i32, i32) {
    %c0_i32 = arith.constant 0 : i32
    %c0_i32_0 = arith.constant 0 : i32
    %c0_i32_1 = arith.constant 0 : i32
    return %c0_i32, %c0_i32_0 : i32, i32
  }
  func.func @transform_6(%arg0: i32) -> (i32, i32) {
    %c0_i32 = arith.constant 0 : i32
    %c0_i32_0 = arith.constant 0 : i32
    return %arg0, %c0_i32 : i32, i32
  }
  func.func @transform_7(%arg0: i32) -> (i32, i32) {
    %c0_i32 = arith.constant 0 : i32
    %c0_i32_0 = arith.constant 0 : i32
    %c0_i32_1 = arith.constant 0 : i32
    return %c0_i32, %c0_i32_0 : i32, i32
  }
}

module attributes {stable_mosaic.version = 14 : i64} {
  func.func @_tail_body(%arg0: memref<2x64xf32, #tpu.memory_space<vmem>>, %arg1: memref<2x64xf32, #tpu.memory_space<vmem>>, %arg2: memref<1x64xf32, #tpu.memory_space<vmem>>, %arg3: memref<1x64xf32, #tpu.memory_space<vmem>>, %arg4: memref<4096x128xf32, #tpu.memory_space<vmem>>, %arg5: memref<4096x128xf32, #tpu.memory_space<vmem>>, %arg6: memref<1x8192xf32, #tpu.memory_space<vmem>>, %arg7: memref<64x256xf32, #tpu.memory_space<vmem>>, %arg8: memref<64x256xf32, #tpu.memory_space<vmem>>, %arg9: memref<1x256xf32, #tpu.memory_space<vmem>>, %arg10: memref<1x256xf32, #tpu.memory_space<vmem>>, %arg11: memref<64x64xf32, #tpu.memory_space<vmem>>, %arg12: memref<1x64xf32, #tpu.memory_space<vmem>>, %arg13: memref<1x64xf32, #tpu.memory_space<vmem>>, %arg14: memref<4096x1xf32, #tpu.memory_space<vmem>>, %arg15: memref<4096x1xf32, #tpu.memory_space<vmem>>, %arg16: memref<4096x1xf32, #tpu.memory_space<vmem>>, %arg17: memref<4096x1xf32, #tpu.memory_space<vmem>>, %arg18: memref<4096x1xf32, #tpu.memory_space<vmem>>) attributes {dimension_semantics = [], scalar_prefetch = 0 : i64, scratch_operands = 0 : i64, tpu.core_type = #tpu.core_type<tc>} {
    %get3A = arith.constant 0 : index
    %get3A_0 = arith.constant 0 : index
    %get3A_1 = vector.load %arg6[%get3A, %get3A_0] : memref<1x8192xf32, #tpu.memory_space<vmem>>, vector<1x8192xf32>
    %reduce_sum3A = vector.shape_cast %get3A_1 : vector<1x8192xf32> to vector<1x1x8192xf32>
    %reduce_sum3A_2 = arith.constant dense<0.000000e+00> : vector<1xf32>
    %reduce_sum3A_3 = vector.multi_reduction <add>, %reduce_sum3A, %reduce_sum3A_2 [1, 2] : vector<1x1x8192xf32> to vector<1xf32>
    %reduce_sum3A_4 = vector.shape_cast %reduce_sum3A_3 : vector<1xf32> to vector<1x1x1xf32>
    %reduce_sum3A_5 = vector.extract %reduce_sum3A_4[0, 0, 0] : f32 from vector<1x1x1xf32>
    %get3A_6 = arith.constant 0 : index
    %get3A_7 = arith.constant 0 : index
    %get3A_8 = vector.load %arg0[%get3A_6, %get3A_7] : memref<2x64xf32, #tpu.memory_space<vmem>>, vector<1x64xf32>
    %get3A_9 = arith.constant 0 : index
    %get3A_10 = arith.constant 0 : index
    %get3A_11 = vector.load %arg1[%get3A_9, %get3A_10] : memref<2x64xf32, #tpu.memory_space<vmem>>, vector<1x64xf32>
    %add3A = arith.addf %get3A_8, %get3A_11 : vector<1x64xf32>
    %div3A = vector.broadcast %reduce_sum3A_5 : f32 to vector<1x64xf32>
    %div3A_12 = arith.divf %add3A, %div3A : vector<1x64xf32>
    %logistic3A = arith.negf %div3A_12 : vector<1x64xf32>
    %logistic3A_13 = math.exp %logistic3A : vector<1x64xf32>
    %logistic3A_14 = arith.constant 1.000000e+00 : f32
    %logistic3A_15 = vector.broadcast %logistic3A_14 : f32 to vector<1x64xf32>
    %logistic3A_16 = arith.addf %logistic3A_15, %logistic3A_13 : vector<1x64xf32>
    %logistic3A_17 = arith.divf %logistic3A_15, %logistic3A_16 : vector<1x64xf32>
    %get3A_18 = arith.constant 1 : index
    %get3A_19 = arith.constant 0 : index
    %get3A_20 = vector.load %arg0[%get3A_18, %get3A_19] : memref<2x64xf32, #tpu.memory_space<vmem>>, vector<1x64xf32>
    %get3A_21 = arith.constant 1 : index
    %get3A_22 = arith.constant 0 : index
    %get3A_23 = vector.load %arg1[%get3A_21, %get3A_22] : memref<2x64xf32, #tpu.memory_space<vmem>>, vector<1x64xf32>
    %add3A_24 = arith.addf %get3A_20, %get3A_23 : vector<1x64xf32>
    %div3A_25 = vector.broadcast %reduce_sum3A_5 : f32 to vector<1x64xf32>
    %div3A_26 = arith.divf %add3A_24, %div3A_25 : vector<1x64xf32>
    %logistic3A_27 = arith.negf %div3A_26 : vector<1x64xf32>
    %logistic3A_28 = math.exp %logistic3A_27 : vector<1x64xf32>
    %logistic3A_29 = arith.constant 1.000000e+00 : f32
    %logistic3A_30 = vector.broadcast %logistic3A_29 : f32 to vector<1x64xf32>
    %logistic3A_31 = arith.addf %logistic3A_30, %logistic3A_28 : vector<1x64xf32>
    %logistic3A_32 = arith.divf %logistic3A_30, %logistic3A_31 : vector<1x64xf32>
    %get3A_33 = arith.constant 0 : index
    %get3A_34 = arith.constant 0 : index
    %get3A_35 = vector.load %arg2[%get3A_33, %get3A_34] : memref<1x64xf32, #tpu.memory_space<vmem>>, vector<1x64xf32>
    %get3A_36 = arith.constant 0 : index
    %get3A_37 = arith.constant 0 : index
    %get3A_38 = vector.load %arg3[%get3A_36, %get3A_37] : memref<1x64xf32, #tpu.memory_space<vmem>>, vector<1x64xf32>
    %add3A_39 = arith.addf %get3A_35, %get3A_38 : vector<1x64xf32>
    %div3A_40 = vector.broadcast %reduce_sum3A_5 : f32 to vector<1x64xf32>
    %div3A_41 = arith.divf %add3A_39, %div3A_40 : vector<1x64xf32>
    %logistic3A_42 = arith.negf %div3A_41 : vector<1x64xf32>
    %logistic3A_43 = math.exp %logistic3A_42 : vector<1x64xf32>
    %logistic3A_44 = arith.constant 1.000000e+00 : f32
    %logistic3A_45 = vector.broadcast %logistic3A_44 : f32 to vector<1x64xf32>
    %logistic3A_46 = arith.addf %logistic3A_45, %logistic3A_43 : vector<1x64xf32>
    %logistic3A_47 = arith.divf %logistic3A_45, %logistic3A_46 : vector<1x64xf32>
    %get3A_48 = arith.constant 0 : index
    %get3A_49 = arith.constant 0 : index
    %get3A_50 = vector.load %arg9[%get3A_48, %get3A_49] : memref<1x256xf32, #tpu.memory_space<vmem>>, vector<1x256xf32>
    %get3A_51 = arith.constant 0 : index
    %get3A_52 = arith.constant 0 : index
    %get3A_53 = vector.load %arg10[%get3A_51, %get3A_52] : memref<1x256xf32, #tpu.memory_space<vmem>>, vector<1x256xf32>
    %add3A_54 = arith.addf %get3A_50, %get3A_53 : vector<1x256xf32>
    %broadcast_in_dim3A = arith.constant 0.000000e+00 : f32
    %broadcast_in_dim3A_55 = vector.broadcast %broadcast_in_dim3A : f32 to vector<1x64xf32>
    %broadcast_in_dim3A_56 = arith.constant 0.000000e+00 : f32
    %broadcast_in_dim3A_57 = vector.broadcast %broadcast_in_dim3A_56 : f32 to vector<1x64xf32>
    %get3A_58 = arith.constant 0 : index
    %get3A_59 = arith.constant 0 : index
    %get3A_60 = vector.load %arg7[%get3A_58, %get3A_59] : memref<64x256xf32, #tpu.memory_space<vmem>>, vector<64x256xf32>
    %dot_general3A = arith.constant dense<0.000000e+00> : vector<1x256xf32>
    %dot_general3A_61 = tpu.matmul %logistic3A_17, %get3A_60, %dot_general3A {dimension_numbers = #tpu.dot_dimension_numbers<[1], [0], [0], [1], [0, 0, 1, 1], [], []>, transpose_lhs_hint = false} : vector<1x64xf32>, vector<64x256xf32>, vector<1x256xf32> -> vector<1x256xf32>
    %get3A_62 = arith.constant 0 : index
    %get3A_63 = arith.constant 0 : index
    %get3A_64 = vector.load %arg8[%get3A_62, %get3A_63] : memref<64x256xf32, #tpu.memory_space<vmem>>, vector<64x256xf32>
    %dot_general3A_65 = arith.constant dense<0.000000e+00> : vector<1x256xf32>
    %dot_general3A_66 = tpu.matmul %broadcast_in_dim3A_55, %get3A_64, %dot_general3A_65 {dimension_numbers = #tpu.dot_dimension_numbers<[1], [0], [0], [1], [0, 0, 1, 1], [], []>, transpose_lhs_hint = false} : vector<1x64xf32>, vector<64x256xf32>, vector<1x256xf32> -> vector<1x256xf32>
    %add3A_67 = arith.addf %dot_general3A_61, %dot_general3A_66 : vector<1x256xf32>
    %add3A_68 = arith.addf %add3A_67, %add3A_54 : vector<1x256xf32>
    %slice3A = vector.extract_strided_slice %add3A_68 {offsets = [0, 0], sizes = [1, 64], strides = [1, 1]} : vector<1x256xf32> to vector<1x64xf32>
    %logistic3A_69 = arith.negf %slice3A : vector<1x64xf32>
    %logistic3A_70 = math.exp %logistic3A_69 : vector<1x64xf32>
    %logistic3A_71 = arith.constant 1.000000e+00 : f32
    %logistic3A_72 = vector.broadcast %logistic3A_71 : f32 to vector<1x64xf32>
    %logistic3A_73 = arith.addf %logistic3A_72, %logistic3A_70 : vector<1x64xf32>
    %logistic3A_74 = arith.divf %logistic3A_72, %logistic3A_73 : vector<1x64xf32>
    %slice3A_75 = vector.extract_strided_slice %add3A_68 {offsets = [0, 64], sizes = [1, 64], strides = [1, 1]} : vector<1x256xf32> to vector<1x64xf32>
    %logistic3A_76 = arith.negf %slice3A_75 : vector<1x64xf32>
    %logistic3A_77 = math.exp %logistic3A_76 : vector<1x64xf32>
    %logistic3A_78 = arith.constant 1.000000e+00 : f32
    %logistic3A_79 = vector.broadcast %logistic3A_78 : f32 to vector<1x64xf32>
    %logistic3A_80 = arith.addf %logistic3A_79, %logistic3A_77 : vector<1x64xf32>
    %logistic3A_81 = arith.divf %logistic3A_79, %logistic3A_80 : vector<1x64xf32>
    %slice3A_82 = vector.extract_strided_slice %add3A_68 {offsets = [0, 128], sizes = [1, 64], strides = [1, 1]} : vector<1x256xf32> to vector<1x64xf32>
    %tanh3A = math.tanh %slice3A_82 : vector<1x64xf32>
    %slice3A_83 = vector.extract_strided_slice %add3A_68 {offsets = [0, 192], sizes = [1, 64], strides = [1, 1]} : vector<1x256xf32> to vector<1x64xf32>
    %logistic3A_84 = arith.negf %slice3A_83 : vector<1x64xf32>
    %logistic3A_85 = math.exp %logistic3A_84 : vector<1x64xf32>
    %logistic3A_86 = arith.constant 1.000000e+00 : f32
    %logistic3A_87 = vector.broadcast %logistic3A_86 : f32 to vector<1x64xf32>
    %logistic3A_88 = arith.addf %logistic3A_87, %logistic3A_85 : vector<1x64xf32>
    %logistic3A_89 = arith.divf %logistic3A_87, %logistic3A_88 : vector<1x64xf32>
    %mul3A = arith.mulf %logistic3A_81, %broadcast_in_dim3A_57 : vector<1x64xf32>
    %mul3A_90 = arith.mulf %logistic3A_74, %tanh3A : vector<1x64xf32>
    %add3A_91 = arith.addf %mul3A, %mul3A_90 : vector<1x64xf32>
    %tanh3A_92 = math.tanh %add3A_91 : vector<1x64xf32>
    %mul3A_93 = arith.mulf %logistic3A_89, %tanh3A_92 : vector<1x64xf32>
    %get3A_94 = arith.constant 0 : index
    %get3A_95 = arith.constant 0 : index
    %get3A_96 = vector.load %arg7[%get3A_94, %get3A_95] : memref<64x256xf32, #tpu.memory_space<vmem>>, vector<64x256xf32>
    %dot_general3A_97 = arith.constant dense<0.000000e+00> : vector<1x256xf32>
    %dot_general3A_98 = tpu.matmul %logistic3A_32, %get3A_96, %dot_general3A_97 {dimension_numbers = #tpu.dot_dimension_numbers<[1], [0], [0], [1], [0, 0, 1, 1], [], []>, transpose_lhs_hint = false} : vector<1x64xf32>, vector<64x256xf32>, vector<1x256xf32> -> vector<1x256xf32>
    %get3A_99 = arith.constant 0 : index
    %get3A_100 = arith.constant 0 : index
    %get3A_101 = vector.load %arg8[%get3A_99, %get3A_100] : memref<64x256xf32, #tpu.memory_space<vmem>>, vector<64x256xf32>
    %dot_general3A_102 = arith.constant dense<0.000000e+00> : vector<1x256xf32>
    %dot_general3A_103 = tpu.matmul %mul3A_93, %get3A_101, %dot_general3A_102 {dimension_numbers = #tpu.dot_dimension_numbers<[1], [0], [0], [1], [0, 0, 1, 1], [], []>, transpose_lhs_hint = false} : vector<1x64xf32>, vector<64x256xf32>, vector<1x256xf32> -> vector<1x256xf32>
    %add3A_104 = arith.addf %dot_general3A_98, %dot_general3A_103 : vector<1x256xf32>
    %add3A_105 = arith.addf %add3A_104, %add3A_54 : vector<1x256xf32>
    %slice3A_106 = vector.extract_strided_slice %add3A_105 {offsets = [0, 0], sizes = [1, 64], strides = [1, 1]} : vector<1x256xf32> to vector<1x64xf32>
    %logistic3A_107 = arith.negf %slice3A_106 : vector<1x64xf32>
    %logistic3A_108 = math.exp %logistic3A_107 : vector<1x64xf32>
    %logistic3A_109 = arith.constant 1.000000e+00 : f32
    %logistic3A_110 = vector.broadcast %logistic3A_109 : f32 to vector<1x64xf32>
    %logistic3A_111 = arith.addf %logistic3A_110, %logistic3A_108 : vector<1x64xf32>
    %logistic3A_112 = arith.divf %logistic3A_110, %logistic3A_111 : vector<1x64xf32>
    %slice3A_113 = vector.extract_strided_slice %add3A_105 {offsets = [0, 64], sizes = [1, 64], strides = [1, 1]} : vector<1x256xf32> to vector<1x64xf32>
    %logistic3A_114 = arith.negf %slice3A_113 : vector<1x64xf32>
    %logistic3A_115 = math.exp %logistic3A_114 : vector<1x64xf32>
    %logistic3A_116 = arith.constant 1.000000e+00 : f32
    %logistic3A_117 = vector.broadcast %logistic3A_116 : f32 to vector<1x64xf32>
    %logistic3A_118 = arith.addf %logistic3A_117, %logistic3A_115 : vector<1x64xf32>
    %logistic3A_119 = arith.divf %logistic3A_117, %logistic3A_118 : vector<1x64xf32>
    %slice3A_120 = vector.extract_strided_slice %add3A_105 {offsets = [0, 128], sizes = [1, 64], strides = [1, 1]} : vector<1x256xf32> to vector<1x64xf32>
    %tanh3A_121 = math.tanh %slice3A_120 : vector<1x64xf32>
    %slice3A_122 = vector.extract_strided_slice %add3A_105 {offsets = [0, 192], sizes = [1, 64], strides = [1, 1]} : vector<1x256xf32> to vector<1x64xf32>
    %logistic3A_123 = arith.negf %slice3A_122 : vector<1x64xf32>
    %logistic3A_124 = math.exp %logistic3A_123 : vector<1x64xf32>
    %logistic3A_125 = arith.constant 1.000000e+00 : f32
    %logistic3A_126 = vector.broadcast %logistic3A_125 : f32 to vector<1x64xf32>
    %logistic3A_127 = arith.addf %logistic3A_126, %logistic3A_124 : vector<1x64xf32>
    %logistic3A_128 = arith.divf %logistic3A_126, %logistic3A_127 : vector<1x64xf32>
    %mul3A_129 = arith.mulf %logistic3A_119, %add3A_91 : vector<1x64xf32>
    %mul3A_130 = arith.mulf %logistic3A_112, %tanh3A_121 : vector<1x64xf32>
    %add3A_131 = arith.addf %mul3A_129, %mul3A_130 : vector<1x64xf32>
    %tanh3A_132 = math.tanh %add3A_131 : vector<1x64xf32>
    %mul3A_133 = arith.mulf %logistic3A_128, %tanh3A_132 : vector<1x64xf32>
    %get3A_134 = arith.constant 0 : index
    %get3A_135 = arith.constant 0 : index
    %get3A_136 = vector.load %arg7[%get3A_134, %get3A_135] : memref<64x256xf32, #tpu.memory_space<vmem>>, vector<64x256xf32>
    %dot_general3A_137 = arith.constant dense<0.000000e+00> : vector<1x256xf32>
    %dot_general3A_138 = tpu.matmul %logistic3A_47, %get3A_136, %dot_general3A_137 {dimension_numbers = #tpu.dot_dimension_numbers<[1], [0], [0], [1], [0, 0, 1, 1], [], []>, transpose_lhs_hint = false} : vector<1x64xf32>, vector<64x256xf32>, vector<1x256xf32> -> vector<1x256xf32>
    %get3A_139 = arith.constant 0 : index
    %get3A_140 = arith.constant 0 : index
    %get3A_141 = vector.load %arg8[%get3A_139, %get3A_140] : memref<64x256xf32, #tpu.memory_space<vmem>>, vector<64x256xf32>
    %dot_general3A_142 = arith.constant dense<0.000000e+00> : vector<1x256xf32>
    %dot_general3A_143 = tpu.matmul %mul3A_133, %get3A_141, %dot_general3A_142 {dimension_numbers = #tpu.dot_dimension_numbers<[1], [0], [0], [1], [0, 0, 1, 1], [], []>, transpose_lhs_hint = false} : vector<1x64xf32>, vector<64x256xf32>, vector<1x256xf32> -> vector<1x256xf32>
    %add3A_144 = arith.addf %dot_general3A_138, %dot_general3A_143 : vector<1x256xf32>
    %add3A_145 = arith.addf %add3A_144, %add3A_54 : vector<1x256xf32>
    %slice3A_146 = vector.extract_strided_slice %add3A_145 {offsets = [0, 0], sizes = [1, 64], strides = [1, 1]} : vector<1x256xf32> to vector<1x64xf32>
    %logistic3A_147 = arith.negf %slice3A_146 : vector<1x64xf32>
    %logistic3A_148 = math.exp %logistic3A_147 : vector<1x64xf32>
    %logistic3A_149 = arith.constant 1.000000e+00 : f32
    %logistic3A_150 = vector.broadcast %logistic3A_149 : f32 to vector<1x64xf32>
    %logistic3A_151 = arith.addf %logistic3A_150, %logistic3A_148 : vector<1x64xf32>
    %logistic3A_152 = arith.divf %logistic3A_150, %logistic3A_151 : vector<1x64xf32>
    %slice3A_153 = vector.extract_strided_slice %add3A_145 {offsets = [0, 64], sizes = [1, 64], strides = [1, 1]} : vector<1x256xf32> to vector<1x64xf32>
    %logistic3A_154 = arith.negf %slice3A_153 : vector<1x64xf32>
    %logistic3A_155 = math.exp %logistic3A_154 : vector<1x64xf32>
    %logistic3A_156 = arith.constant 1.000000e+00 : f32
    %logistic3A_157 = vector.broadcast %logistic3A_156 : f32 to vector<1x64xf32>
    %logistic3A_158 = arith.addf %logistic3A_157, %logistic3A_155 : vector<1x64xf32>
    %logistic3A_159 = arith.divf %logistic3A_157, %logistic3A_158 : vector<1x64xf32>
    %slice3A_160 = vector.extract_strided_slice %add3A_145 {offsets = [0, 128], sizes = [1, 64], strides = [1, 1]} : vector<1x256xf32> to vector<1x64xf32>
    %tanh3A_161 = math.tanh %slice3A_160 : vector<1x64xf32>
    %slice3A_162 = vector.extract_strided_slice %add3A_145 {offsets = [0, 192], sizes = [1, 64], strides = [1, 1]} : vector<1x256xf32> to vector<1x64xf32>
    %logistic3A_163 = arith.negf %slice3A_162 : vector<1x64xf32>
    %logistic3A_164 = math.exp %logistic3A_163 : vector<1x64xf32>
    %logistic3A_165 = arith.constant 1.000000e+00 : f32
    %logistic3A_166 = vector.broadcast %logistic3A_165 : f32 to vector<1x64xf32>
    %logistic3A_167 = arith.addf %logistic3A_166, %logistic3A_164 : vector<1x64xf32>
    %logistic3A_168 = arith.divf %logistic3A_166, %logistic3A_167 : vector<1x64xf32>
    %mul3A_169 = arith.mulf %logistic3A_159, %add3A_131 : vector<1x64xf32>
    %mul3A_170 = arith.mulf %logistic3A_152, %tanh3A_161 : vector<1x64xf32>
    %add3A_171 = arith.addf %mul3A_169, %mul3A_170 : vector<1x64xf32>
    %tanh3A_172 = math.tanh %add3A_171 : vector<1x64xf32>
    %mul3A_173 = arith.mulf %logistic3A_168, %tanh3A_172 : vector<1x64xf32>
    %add3A_174 = arith.addf %mul3A_93, %mul3A_133 : vector<1x64xf32>
    %mul3A_175 = arith.constant 5.000000e-01 : f32
    %mul3A_176 = vector.broadcast %mul3A_175 : f32 to vector<1x64xf32>
    %mul3A_177 = arith.mulf %add3A_174, %mul3A_176 : vector<1x64xf32>
    %swap3A = arith.constant 0 : index
    %swap3A_178 = arith.constant 0 : index
    %swap3A_179 = vector.load %arg12[%swap3A, %swap3A_178] : memref<1x64xf32, #tpu.memory_space<vmem>>, vector<1x64xf32>
    tpu.vector_store %arg12[%swap3A, %swap3A_178], %mul3A_177 {strides = array<i32>} : memref<1x64xf32, #tpu.memory_space<vmem>>, vector<1x64xf32>,
    %swap3A_180 = arith.constant 0 : index
    %swap3A_181 = arith.constant 0 : index
    %swap3A_182 = vector.load %arg13[%swap3A_180, %swap3A_181] : memref<1x64xf32, #tpu.memory_space<vmem>>, vector<1x64xf32>
    tpu.vector_store %arg13[%swap3A_180, %swap3A_181], %mul3A_173 {strides = array<i32>} : memref<1x64xf32, #tpu.memory_space<vmem>>, vector<1x64xf32>,
    %get3A_183 = arith.constant 0 : index
    %get3A_184 = arith.constant 0 : index
    %get3A_185 = vector.load %arg11[%get3A_183, %get3A_184] : memref<64x64xf32, #tpu.memory_space<vmem>>, vector<64x64xf32>
    %dot_general3A_186 = arith.constant dense<0.000000e+00> : vector<1x64xf32>
    %dot_general3A_187 = tpu.matmul %logistic3A_47, %get3A_185, %dot_general3A_186 {dimension_numbers = #tpu.dot_dimension_numbers<[1], [0], [0], [1], [0, 0, 1, 1], [], []>, transpose_lhs_hint = false} : vector<1x64xf32>, vector<64x64xf32>, vector<1x64xf32> -> vector<1x64xf32>
    %get3A_188 = arith.constant 0 : index
    %get3A_189 = arith.constant 0 : index
    %get3A_190 = vector.load %arg4[%get3A_188, %get3A_189] : memref<4096x128xf32, #tpu.memory_space<vmem>>, vector<4096x128xf32>
    %get3A_191 = arith.constant 0 : index
    %get3A_192 = arith.constant 0 : index
    %get3A_193 = vector.load %arg5[%get3A_191, %get3A_192] : memref<4096x128xf32, #tpu.memory_space<vmem>>, vector<4096x128xf32>
    %slice3A_194 = vector.extract_strided_slice %get3A_190 {offsets = [0, 0], sizes = [4096, 64], strides = [1, 1]} : vector<4096x128xf32> to vector<4096x64xf32>
    %dot_general3A_195 = arith.constant dense<0.000000e+00> : vector<4096x1xf32>
    %dot_general3A_196 = tpu.matmul %slice3A_194, %dot_general3A_187, %dot_general3A_195 {dimension_numbers = #tpu.dot_dimension_numbers<[1], [1], [0], [0], [0, 0, 1, 0], [], []>, transpose_lhs_hint = false} : vector<4096x64xf32>, vector<1x64xf32>, vector<4096x1xf32> -> vector<4096x1xf32>
    %swap3A_197 = arith.constant 0 : index
    %swap3A_198 = arith.constant 0 : index
    %swap3A_199 = vector.load %arg14[%swap3A_197, %swap3A_198] : memref<4096x1xf32, #tpu.memory_space<vmem>>, vector<4096x1xf32>
    tpu.vector_store %arg14[%swap3A_197, %swap3A_198], %dot_general3A_196 {strides = array<i32>} : memref<4096x1xf32, #tpu.memory_space<vmem>>, vector<4096x1xf32>,
    %slice3A_200 = vector.extract_strided_slice %get3A_193 {offsets = [0, 0], sizes = [4096, 64], strides = [1, 1]} : vector<4096x128xf32> to vector<4096x64xf32>
    %dot_general3A_201 = arith.constant dense<0.000000e+00> : vector<4096x1xf32>
    %dot_general3A_202 = tpu.matmul %slice3A_200, %dot_general3A_187, %dot_general3A_201 {dimension_numbers = #tpu.dot_dimension_numbers<[1], [1], [0], [0], [0, 0, 1, 0], [], []>, transpose_lhs_hint = false} : vector<4096x64xf32>, vector<1x64xf32>, vector<4096x1xf32> -> vector<4096x1xf32>
    %swap3A_203 = arith.constant 0 : index
    %swap3A_204 = arith.constant 0 : index
    %swap3A_205 = vector.load %arg15[%swap3A_203, %swap3A_204] : memref<4096x1xf32, #tpu.memory_space<vmem>>, vector<4096x1xf32>
    tpu.vector_store %arg15[%swap3A_203, %swap3A_204], %dot_general3A_202 {strides = array<i32>} : memref<4096x1xf32, #tpu.memory_space<vmem>>, vector<4096x1xf32>,
    %slice3A_206 = vector.extract_strided_slice %get3A_190 {offsets = [0, 64], sizes = [4096, 64], strides = [1, 1]} : vector<4096x128xf32> to vector<4096x64xf32>
    %dot_general3A_207 = arith.constant dense<0.000000e+00> : vector<4096x1xf32>
    %dot_general3A_208 = tpu.matmul %slice3A_206, %dot_general3A_187, %dot_general3A_207 {dimension_numbers = #tpu.dot_dimension_numbers<[1], [1], [0], [0], [0, 0, 1, 0], [], []>, transpose_lhs_hint = false} : vector<4096x64xf32>, vector<1x64xf32>, vector<4096x1xf32> -> vector<4096x1xf32>
    %swap3A_209 = arith.constant 0 : index
    %swap3A_210 = arith.constant 0 : index
    %swap3A_211 = vector.load %arg16[%swap3A_209, %swap3A_210] : memref<4096x1xf32, #tpu.memory_space<vmem>>, vector<4096x1xf32>
    tpu.vector_store %arg16[%swap3A_209, %swap3A_210], %dot_general3A_208 {strides = array<i32>} : memref<4096x1xf32, #tpu.memory_space<vmem>>, vector<4096x1xf32>,
    %slice3A_212 = vector.extract_strided_slice %get3A_193 {offsets = [0, 64], sizes = [4096, 64], strides = [1, 1]} : vector<4096x128xf32> to vector<4096x64xf32>
    %dot_general3A_213 = arith.constant dense<0.000000e+00> : vector<4096x1xf32>
    %dot_general3A_214 = tpu.matmul %slice3A_212, %dot_general3A_187, %dot_general3A_213 {dimension_numbers = #tpu.dot_dimension_numbers<[1], [1], [0], [0], [0, 0, 1, 0], [], []>, transpose_lhs_hint = false} : vector<4096x64xf32>, vector<1x64xf32>, vector<4096x1xf32> -> vector<4096x1xf32>
    %swap3A_215 = arith.constant 0 : index
    %swap3A_216 = arith.constant 0 : index
    %swap3A_217 = vector.load %arg17[%swap3A_215, %swap3A_216] : memref<4096x1xf32, #tpu.memory_space<vmem>>, vector<4096x1xf32>
    tpu.vector_store %arg17[%swap3A_215, %swap3A_216], %dot_general3A_214 {strides = array<i32>} : memref<4096x1xf32, #tpu.memory_space<vmem>>, vector<4096x1xf32>,
    %slice3A_218 = vector.extract_strided_slice %get3A_193 {offsets = [0, 64], sizes = [4096, 64], strides = [1, 1]} : vector<4096x128xf32> to vector<4096x64xf32>
    %sub3A = vector.broadcast %logistic3A_47 : vector<1x64xf32> to vector<4096x64xf32>
    %sub3A_219 = arith.subf %slice3A_218, %sub3A : vector<4096x64xf32>
    %mul3A_220 = arith.mulf %sub3A_219, %sub3A_219 : vector<4096x64xf32>
    %reduce_sum3A_221 = arith.constant dense<0.000000e+00> : vector<4096xf32>
    %reduce_sum3A_222 = vector.multi_reduction <add>, %mul3A_220, %reduce_sum3A_221 [1] : vector<4096x64xf32> to vector<4096xf32>
    %broadcast_in_dim3A_223 = vector.shape_cast %reduce_sum3A_222 : vector<4096xf32> to vector<4096x1xf32>
    %sqrt3A = math.sqrt %broadcast_in_dim3A_223 : vector<4096x1xf32>
    %swap3A_224 = arith.constant 0 : index
    %swap3A_225 = arith.constant 0 : index
    %swap3A_226 = vector.load %arg18[%swap3A_224, %swap3A_225] : memref<4096x1xf32, #tpu.memory_space<vmem>>, vector<4096x1xf32>
    tpu.vector_store %arg18[%swap3A_224, %swap3A_225], %sqrt3A {strides = array<i32>} : memref<4096x1xf32, #tpu.memory_space<vmem>>, vector<4096x1xf32>,
    return
  }
}

module attributes {stable_mosaic.version = 14 : i64} {
  func.func @_gather_body(%arg0: i32, %arg1: memref<1x1x256xi32, #tpu.memory_space<vmem>>, %arg2: memref<4096x1xf32, #tpu.memory_space<vmem>>, %arg3: memref<1x256x1xf32, #tpu.memory_space<vmem>>) attributes {dimension_semantics = [#tpu.dimension_semantics<arbitrary>], iteration_bounds = array<i64: 8>, scalar_prefetch = 0 : i64, scratch_operands = 0 : i64, tpu.core_type = #tpu.core_type<tc>, window_params = [{transform_indices = @transform_0, window_bounds = array<i64: 1, 1, 256>}, {pipeline_mode = #tpu.pipeline_mode<synchronous>, transform_indices = @transform_1, window_bounds = array<i64: 4096, 1>}, {transform_indices = @transform_2, window_bounds = array<i64: 1, 256, 1>}]} {
    %get3A = arith.constant 0 : index
    %get3A_0 = arith.constant 0 : index
    %get3A_1 = arith.constant 0 : index
    %get3A_2 = vector.load %arg1[%get3A, %get3A_0, %get3A_1] : memref<1x1x256xi32, #tpu.memory_space<vmem>>, vector<1x1x256xi32>
    %get3A_3 = vector.shape_cast %get3A_2 : vector<1x1x256xi32> to vector<256xi32>
    %iota3A = tpu.iota {dimensions = array<i32: 1>} : vector<256x4096xi32>
    %broadcast_in_dim3A = vector.shape_cast %get3A_3 : vector<256xi32> to vector<256x1xi32>
    %eq3A = vector.broadcast %broadcast_in_dim3A : vector<256x1xi32> to vector<256x4096xi32>
    %eq3A_4 = arith.cmpi eq, %eq3A, %iota3A : vector<256x4096xi32>
    %convert_element_type3A = arith.extui %eq3A_4 : vector<256x4096xi1> to vector<256x4096xi32>
    %convert_element_type3A_5 = arith.sitofp %convert_element_type3A : vector<256x4096xi32> to vector<256x4096xf32>
    %get3A_6 = arith.constant 0 : index
    %get3A_7 = arith.constant 0 : index
    %get3A_8 = vector.load %arg2[%get3A_6, %get3A_7] : memref<4096x1xf32, #tpu.memory_space<vmem>>, vector<4096x1xf32>
    %dot_general3A = arith.constant dense<0.000000e+00> : vector<256x1xf32>
    %dot_general3A_9 = tpu.matmul %convert_element_type3A_5, %get3A_8, %dot_general3A {dimension_numbers = #tpu.dot_dimension_numbers<[1], [0], [0], [1], [0, 0, 1, 1], [], []>, transpose_lhs_hint = false} : vector<256x4096xf32>, vector<4096x1xf32>, vector<256x1xf32> -> vector<256x1xf32>
    %swap3A = arith.constant 0 : index
    %swap3A_10 = arith.constant 0 : index
    %swap3A_11 = arith.constant 0 : index
    %swap3A_12 = vector.load %arg3[%swap3A, %swap3A_10, %swap3A_11] : memref<1x256x1xf32, #tpu.memory_space<vmem>>, vector<1x256x1xf32>
    %swap3A_13 = vector.shape_cast %swap3A_12 : vector<1x256x1xf32> to vector<256x1xf32>
    %swap3A_14 = vector.shape_cast %dot_general3A_9 : vector<256x1xf32> to vector<1x256x1xf32>
    tpu.vector_store %arg3[%swap3A, %swap3A_10, %swap3A_11], %swap3A_14 {strides = array<i32>} : memref<1x256x1xf32, #tpu.memory_space<vmem>>, vector<1x256x1xf32>,
    return
  }
  func.func @transform_0(%arg0: i32) -> (i32, i32, i32) {
    %c0_i32 = arith.constant 0 : i32
    %c0_i32_0 = arith.constant 0 : i32
    %c0_i32_1 = arith.constant 0 : i32
    return %arg0, %c0_i32, %c0_i32_0 : i32, i32, i32
  }
  func.func @transform_1(%arg0: i32) -> (i32, i32) {
    %c0_i32 = arith.constant 0 : i32
    %c0_i32_0 = arith.constant 0 : i32
    %c0_i32_1 = arith.constant 0 : i32
    return %c0_i32, %c0_i32_0 : i32, i32
  }
  func.func @transform_2(%arg0: i32) -> (i32, i32, i32) {
    %c0_i32 = arith.constant 0 : i32
    %c0_i32_0 = arith.constant 0 : i32
    %c0_i32_1 = arith.constant 0 : i32
    return %arg0, %c0_i32, %c0_i32_0 : i32, i32, i32
  }
}

</mosaic_0001>

<sc_bundles>
// kernel: gather_offload_async_start
scs
__scs_entry_jumppad:
0x0: {  	(pc) =	sbr.rel $0x88, $3  }
0x1: {  	(tag) =	ssettag $0x0;
	lr =	simm.s32 $0x1  }
0x2: {  	[smem:$0x3F8C] =	sst lr;
	_ =	strace $0xD0000000  }
0x3: {  	_ = 	snop  }
0x4: {  	_ = 	snop  }
0x5: {  	_ = 	snop  }
0x6: {  	_ = 	snop  }
0x7: {  	_ = 	snop  }
__scs_overlays_trampoline_lowered:
0x8: {  	[smem:$0x3F9B] =	sst s0  }
0x9: {  	[smem:$0x3F9C] =	sst s1  }
0xa: {  	[smem:$0x3F9D] =	sst s2  }
0xb: {  	[smem:$0x3F9E] =	sst s3  }
0xc: {  	[smem:$0x3F9F] =	sst s4  }
0xd: {  	[smem:$0x3FA0] =	sst s5  }
0xe: {  	[smem:$0x3FA1] =	sst s6  }
0xf: {  	[smem:$0x3FA2] =	sst s7  }
0x10: {  	[smem:$0x3FA3] =	sst s8  }
0x11: {  	[smem:$0x3FA4] =	sst s9;
	s0 =	simm.s32 @!p0 $0x0  }
0x12: {  	s1 =	sld [smem:$0x3F8A];
	s0 =	simm.s32 @p0 $0x1  }
0x13: {  	[smem:$0x3FA5] =	sst s0;
	s0 =	simm.s32 @!p1 $0x0  }
0x14: {  	s2 =	sld [smem:$0x3F89];
	s0 =	simm.s32 @p1 $0x1  }
0x15: {  	[smem:$0x3FA6] =	sst s0;
	s0 =	simm.s32 @!p2 $0x0  }
0x16: {  	s3 =	sld [smem:$0x3FDB];
	s0 =	simm.s32 @p2 $0x1  }
0x17: {  	s4 =	simm.s32 $0x1BF5;
	[smem:$0x3FA8] =	sst s0  }
0x18: {  	s0 =	sld [smem:$0x3F8B];
	_ =	swait.ge [sflag:s4], $0x0  }
0x19: {  	s7 =	sld [smem:$0x3F8C]  }
0x1a: {  	s8 =	sadd.s32 $0xFFFFE003, lr  }
0x1b: {  	s9 =	sadd.s32 $0xFFFFFEF7, lr;
	s5 =	simm.s32 $0xFFFFFFFF;
	p2 =	slt.u32 s8, $0xFFFFF086  }
0x1c: {  	p1 =	slt.u32 s9, $0xF7A;
	s5 =	simm.s32 @!p2 $0x0  }
0x1d: {  	s5 =	simm.s32 @p1 $0x1;
	p0 =	seq.s32 s7, s2  }
0x1e: {  	s7 =	smul.u32 @!p0 $0xF7A, s2;
	p2 =	seq.s32 @!p0 s5, $0x0  }
0x1f: {  	s9 =	smul.u32 $0xF7A, s1;
	s8 =	simm.s32 @!p0 $0x1BF5;
	p2 =	por !p2, p0  }
0x20: {  	[sflag:s8] =	ssyncset.s32 @!p0 $0xFFFFF086;
	s6 =	sadd.s32 @!p0 s3, s7;
	s7 =	simm.s32 @!p0 $0x108  }
0x21: {  	s3 =	sadd.s32 s3, s9;
	s6 =	sadd.s32 @!p0 $0x88, s6;
	s7 =	simm.s32 @p2 $0x1082  }
0x22: {  	[simem:s7], [sflag:s8] =	dma.local @!p0 [hbm:s6], $0xF7A  }
0x23: {  	s9 =	sor.u32 $0xD0000000, s2;
	s6 =	simm.s32 $0x108;
	_ =	swait.ge @!p0 [sflag:s8], $0x0  }
0x24: {  	s3 =	sadd.s32 $0x88, s3;
	s6 =	simm.s32 @!p1 $0x1082;
	[sflag:s4] =	ssyncset.s32 $0xFFFFF086  }
0x25: {  	[simem:s6], [sflag:s4] =	dma.local [hbm:s3], $0xF7A  }
0x26: {  	[smem:$0x3F8C] =	sst s1;
	(tag) =	ssettag s2;
	_ =	strace s9  }
0x27: {  	s1 =	sld [smem:$0x3F9C]  }
0x28: {  	s2 =	sld [smem:$0x3F9D]  }
0x29: {  	s4 =	sld [smem:$0x3F9F]  }
0x2a: {  	p0 =	seq.s32 s5, $0x0;
	s5 =	sld [smem:$0x3FA0]  }
0x2b: {  	s6 =	sld [smem:$0x3FA1]  }
0x2c: {  	s7 =	sld [smem:$0x3FA2]  }
0x2d: {  	s3 =	simm.s32 $0x108;
	s8 =	sld [smem:$0x3FA3]  }
0x2e: {  	s3 =	simm.s32 @!p0 $0x1082;
	s9 =	sld [smem:$0x3FA4]  }
0x2f: {  	lr =	sadd.s32 s0, s3;
	s0 =	sld [smem:$0x3F9B]  }
0x30: {  	s3 =	sld [smem:$0x3F9E]  }
0x31: {  	[smem:$0x3FA7] =	sst s10  }
0x32: {  	s10 =	sld [smem:$0x3FA5];
	_ =	sdelay $0x3  }
0x33: {  	p0 =	seq.s32 s10, $0x1;
	s10 =	sld [smem:$0x3FA7];
	_ =	sdelay $0x3  }
0x34: {  	[smem:$0x3FA7] =	sst s10  }
0x35: {  	s10 =	sld [smem:$0x3FA6];
	_ =	sdelay $0x3  }
0x36: {  	p1 =	seq.s32 s10, $0x1;
	s10 =	sld [smem:$0x3FA7];
	_ =	sdelay $0x3  }
0x37: {  	[smem:$0x3FA7] =	sst s10  }
0x38: {  	s10 =	sld [smem:$0x3FA8]  }
0x39: {  	_ = 	snop;
	(pc) =	sbr.ind lr, $3  }
0x3a: {  	_ = 	snop  }
0x3b: {  	_ = 	snop  }
0x3c: {  	p2 =	seq.s32 s10, $0x1;
	s10 =	sld [smem:$0x3FA7]  }
0x3d: {  	_ =	shalt  }
0x3e: {  	_ =	shalt  }
0x3f: {  	_ =	shalt  }
0x40: {  	_ =	shalt  }
0x41: {  	_ =	shalt  }
0x42: {  	_ =	shalt  }
0x43: {  	_ =	shalt  }
0x44: {  	_ =	shalt  }
0x45: {  	_ =	shalt  }
0x46: {  	_ =	shalt  }
0x47: {  	_ =	shalt  }
0x48: {  	_ =	shalt  }
0x49: {  	_ =	shalt  }
0x4a: {  	_ =	shalt  }
0x4b: {  	_ =	shalt  }
0x4c: {  	_ =	shalt  }
0x4d: {  	_ =	shalt  }
0x4e: {  	_ =	shalt  }
0x4f: {  	_ =	shalt  }
0x50: {  	_ =	shalt  }
0x51: {  	_ =	shalt  }
0x52: {  	_ =	shalt  }
0x53: {  	_ =	shalt  }
0x54: {  	_ =	shalt  }
0x55: {  	_ =	shalt  }
0x56: {  	_ =	shalt  }
0x57: {  	_ =	shalt  }
0x58: {  	_ =	shalt  }
0x59: {  	_ =	shalt  }
0x5a: {  	_ =	shalt  }
0x5b: {  	_ =	shalt  }
0x5c: {  	_ =	shalt  }
0x5d: {  	_ =	shalt  }
0x5e: {  	_ =	shalt  }
0x5f: {  	_ =	shalt  }
0x60: {  	_ =	shalt  }
0x61: {  	_ =	shalt  }
0x62: {  	_ =	shalt  }
0x63: {  	_ =	shalt  }
0x64: {  	_ =	shalt  }
0x65: {  	_ =	shalt  }
0x66: {  	_ =	shalt  }
0x67: {  	_ =	shalt  }
0x68: {  	_ =	shalt  }
0x69: {  	_ =	shalt  }
0x6a: {  	_ =	shalt  }
0x6b: {  	_ =	shalt  }
0x6c: {  	_ =	shalt  }
0x6d: {  	_ =	shalt  }
0x6e: {  	_ =	shalt  }
0x6f: {  	_ =	shalt  }
0x70: {  	_ =	shalt  }
0x71: {  	_ =	shalt  }
0x72: {  	_ =	shalt  }
0x73: {  	_ =	shalt  }
0x74: {  	_ =	shalt  }
0x75: {  	_ =	shalt  }
0x76: {  	_ =	shalt  }
0x77: {  	_ =	shalt  }
0x78: {  	_ =	shalt  }
0x79: {  	_ =	shalt  }
0x7a: {  	_ =	shalt  }
0x7b: {  	_ =	shalt  }
0x7c: {  	_ =	shalt  }
0x7d: {  	_ =	shalt  }
0x7e: {  	_ =	shalt  }
0x7f: {  	_ =	shalt  }
0x80: {  	_ =	shalt  }
0x81: {  	_ =	shalt  }
0x82: {  	_ =	shalt  }
0x83: {  	_ =	shalt  }
0x84: {  	_ =	shalt  }
0x85: {  	_ =	shalt  }
0x86: {  	_ =	shalt  }
0x87: {  	_ =	shalt  }
.Lfunc_end0:
.L_simem_size_0:
called_computation_lowered:
.L_overlay_start_0:
0x88: {  	s2 =	sld [smem:$0x3FD9]  }
0x89: {  	s3 =	sld [smem:$0x3FFE];
	_ =	sdelay $0x1  }
0x8a: {  	s1 =	srdreg.scid  }
0x8b: {  	s0 =	sand.u32 $0x1, s1  }
0x8c: {  	s14 =	sshll.u32 s0, $0xA;
	s2 =	sadd.s32 s3, s2  }
0x8d: {  	s2 =	sadd.s32 s2, s14  }
0x8e: {  	[smem:$0x3FB3] =	sst s2  }
0x8f: {  	_ = 	snop  }
0x90: {  	s2 =	sld [smem:$0x3FD0];
	_ =	sdelay $0x2  }
0x91: {  	s15 =	simm.s32 $0xA;
	s4 =	simm.s32 $0x10  }
0x92: {  	[smem:s4], [sflag:s15] =	dma.local [hbm:s2], $0x1  }
0x93: {  	_ =	swait.eq [sflag:s15], $0x1  }
0x94: {  	[sflag:s15] =	ssyncset.done $0x0  }
0x95: {  	[sflag:s15] =	ssyncadd.s32 $0xFFFFFFFF  }
0x96: {  	s16 =	sld [smem:$0x10];
	(tm) =	ssettm $0x1  }
0x97: {  	s17 =	sld [smem:$0x3FFB];
	_ =	sdelay $0x3  }
0x98: {  	_ =	strace s17  }
0x99: {  	s3 =	sld [smem:$0x3FFC];
	_ =	sdelay $0x3  }
0x9a: {  	_ =	strace s3  }
0x9b: {  	s3 =	sld [smem:$0x3FFD];
	_ =	sdelay $0x3  }
0x9c: {  	_ =	strace s3  }
0x9d: {  	_ =	strace $0x8FFFFFFF  }
0x9e: {  	s18 =	sld [smem:$0x3FDB];
	_ =	sdelay $0x1  }
0x9f: {  	s19 =	simm.s32 $_scs_section_size  }
0xa0: {  	s5 =	simm.s32 $_size__tile_overlayer_lowered;
	s6 =	simm.s32 $_tile_overlayer_lowered  }
0xa1: {  	s22 =	simm.s32 $0x1BFF;
	s21 =	sshll.u32 s6, $0x1;
	s3 =	sadd.s32 s19, s18  }
0xa2: {  	s7 =	simm.s32 $0x0;
	s20 =	sshll.u32 s5, $0x1;
	s5 =	sadd.s32 s21, s3  }
0xa3: {  	[timem:s7], [sflag:s22] =	dma.local [hbm:s5], s20  }
0xa4: {  	_ =	swait.ge [sflag:s22], s20  }
0xa5: {  	s4 =	ssub.s32 $0x0, s20;
	[sflag:s22] =	ssyncset.done $0x0  }
0xa6: {  	[sflag:s22] =	ssyncadd.s32 s4;
	_ =	sdelay $0x1  }
0xa7: {  	s23 =	simm.s32 $0x1B8B  }
0xa8: {  	_ =	swait.ge [sflag:s23], $0x1  }
0xa9: {  	[sflag:s23] =	ssyncset.done $0x0  }
0xaa: {  	s25 =	simm.s32 $0x1B8E;
	s24 =	sld [smem:$0x3FFE];
	[sflag:s23] =	ssyncadd.s32 $0xFFFFFFFF  }
0xab: {  	s26 =	simm.s32 $execute0_lowered;
	[smem:$0x3FD2] =	sst s25  }
0xac: {  	s5 =	sshll.u32 s26, $0x1;
	_ =	strace $0x80000046;
	[dreg:$0x1] =	wrdreg $0xFFFFFFFF  }
0xad: {  	s28 =	simm.s32 $_size_execute0_lowered;
	s3 =	sadd.s32 s3, s5;
	[dreg:$0x0] =	wrdreg $0x0  }
0xae: {  	s5 =	sshll.u32 s28, $0x1;
	[dreg:$0x2] =	wrdreg s3  }
0xaf: {  	[dreg:$0x3] =	wrdreg s5  }
0xb0: {  	[dreg:$0x4] =	wrdreg $0xC0  }
0xb1: {  	_ =	task [dreg:s7], $0x5FFFF  }
0xb2: {  	[dreg:$0x1] =	wrdreg $0xFFFFFFFF  }
0xb3: {  	[dreg:$0x0] =	wrdreg $0x60  }
0xb4: {  	[dreg:$0x2] =	wrdreg s16  }
0xb5: {  	[dreg:$0x3] =	wrdreg s24  }
0xb6: {  	[dreg:$0x4] =	wrdreg $0x9  }
0xb7: {  	_ =	task.clear_ibuf [dreg:s7], $0x5FFFF;
	_ =	strace $0x90000046  }
0xb8: {  	s29 =	simm.s32 $0x9;
	_ =	strace $0x80000048  }
0xb9: {  	_ =	swait.ge [sflag:s29], $0x1  }
0xba: {  	[sflag:s29] =	ssyncadd.s32 $0xFFFFFFFF  }
0xbb: {  	_ =	strace $0x90000048  }
0xbc: {  	_ =	sfence  }
0xbd: {  	s30 =	sld [smem:$0x0];
	_ =	sdelay $0x2  }
0xbe: {  	s31 =	sshll.u32 s1, $0xD;
	s1 =	sshrl.u32 s1, $0x2  }
0xbf: {  	s3 =	sand.u32 $0x4000, s31;
	s1 =	sadd.s32 s1, s30  }
0xc0: {  	s0 =	sor.u32 s3, s0;
	s1 =	sshll.u32 s1, $0x11  }
0xc1: {  	s0 =	sor.u32 s1, s0  }
0xc2: {  	s0 =	sadd.s32 $0x8F2B, s0  }
0xc3: {  	[sflag:s0] =	ssyncadd.remote.s32 $0x1  }
0xc4: {  	_ =	sfence.sel $0xFFFF  }
0xc5: {  	[dreg:$0x0] =	wrdreg $0xFFFFFFFF;
	(pc) =	sbr.abs _section_cstart, $3  }
0xc6: {  	[dreg:$0x1] =	wrdreg $0xFFFFFFFF  }
0xc7: {  	_ =	task.clear_ibuf [dreg:s7], $0x2FFFF;
	_ =	strace $0x9FFFFFFF  }
0xc8: {  	(tm) =	ssettm $0x7FFFFFFF  }
0xc9: {  	_ =	shalt  }
tec
execute0_lowered:
.L_overlay_start_1:
0x0: {  	(tag) =	ssettag $0x1  }
0x1: {  	s1 =	srdreg.scid;
	s2 =	rddreg [dreg:$0x0]  }
0x2: {  	s0 =	stileid.u32;
	s6 =	rddreg [dreg:$0x1];
	s1 =	sshll.u32 s1, $0x5  }
0x3: {  	s7 =	simm.s32 $0x1;
	s3 =	sshll.u32 s0, $0x6;
	s1 =	sand.u32 $0x20, s1  }
0x4: {  	s30 =	simm.s32 $0x2;
	s31 =	simm.s32 $0x3;
	s3 =	sor.u32 s3, s1  }
0x5: {  	s11 =	simm.s32 $0x0;
	s9 =	simm.s32 $0x0;
	s5 =	ssub.s32 $0x800, s3  }
0x6: {  	s4 =	sadd.s32 $0xE00, s6;
	s6 =	sadd.s32 $0x1000, s6;
	s8 =	sand.u32 $0x3E0, s5  }
0x7: {  	s1 =	rddreg [dreg:$0x2];
	_ =	strace $0x80000047;
	p0 =	sne.s32 s8, $0x0  }
0x8: {  	[sflag:s7] =	ssyncpa.u1 $0x0;
	s5 =	sshrl.u32 s5, $0xA;
	s7 =	simm.s32 @!p0 $0x0  }
0x9: {  	s10 =	smov.u32 s3;
	[sflag:s30] =	ssyncpa.u1 $0x0;
	s5 =	sadd.s32 s7, s5  }
0xa: {  	[sflag:s31] =	ssyncpa.u1 $0x0;
	s8 =	simm.s32 $0x0;
	s7 =	sadd.s32 $0x1, s5  }
.LBB2_1:
0xb: {  	p0 =	sge.u32 s9, s5  }
0xc: {  	s31 =	sadd.s32 $0xFFFFFFFF, s9;
	s12 =	sxor.u32 @!p0 $0xFFFFFFFF, s8;
	s13 =	sshrl.u32 @!p0 s10, $0x3  }
0xd: {  	s14 =	sand.u32 @!p0 $0x7, s10;
	s12 =	sand.u32 @!p0 $0x20, s12;
	s13 =	sadd.s32 @!p0 s4, s13  }
0xe: {  	[tilespmem:s12], [sflag:$0x2] =	stream.linear.gather @!p0 [hbm4b:s13+s14], $0x20, $0x38;
	[tilespmem:$0x80] =	vst v63  }
0xf: {  	p0 =	sge.u32 s31, s5  }
0x10: {  	s12 =	simm.s32 @!p0 $0x2  }
0x11: {  	_ =	swait.ge @!p0 [sflag:s12], $0x20  }
0x12: {  	[sflag:s12] =	ssyncset.done @!p0 $0x0  }
0x13: {  	[sflag:s12] =	ssyncadd.s32 @!p0 $0xFFFFFFE0;
	s12 =	sand.u32 @!p0 $0x20, s8  }
0x14: {  	(ifvalue) =	ssetifvalue @!p0 $0x7FFFFFFF;
	v0 =	vld.msk @!p0 [tilespmem:s12+$0x0 ss:$0x1], $0xffff;
	_ =	sdelay $0x4  }
0x15: {  	vm0 =	vgt.s32 @!p0 v0, $0x0  }
0x16: {  	v0 =	vnsel @!p0 vm0, $0x0, v0  }
0x17: {  	v0 =	vmin.u32 @!p0 v0, $0xFFF;
	_ =	sdelay $0x2  }
0x18: {  	s14 =	simm.s32 @!p0 $0x0  }
0x19: {  	s13 =	sor.u32 @!p0 $0x40, s12;
	(ifvalue) =	ssetifvalue @!p0 $0x7FFFFFFF;
	s15 =	sor.u32 @!p0 $0x10, s12;
	vm0 =	vmmov @!p0 $0xffff  }
0x1a: {  	[tilespmem:s13], [sflag:$0x1] =	stream.indirect_vreg.gather @!p0 [hbm4b:s2+s14], $0x1, v0, vm0, $0x4038;
	[tilespmem:$0x80] =	vst v63  }
0x1b: {  	v0 =	vld.msk @!p0 [tilespmem:s15+$0x0 ss:$0x1], $0xffff;
	_ =	sdelay $0x4  }
0x1c: {  	vm1 =	vgt.s32 @!p0 v0, $0x0  }
0x1d: {  	v0 =	vnsel @!p0 vm1, $0x0, v0  }
0x1e: {  	v0 =	vmin.u32 @!p0 v0, $0xFFF;
	_ =	sdelay $0x3  }
0x1f: {  	s12 =	sor.u32 @!p0 $0x50, s12;
	(ifvalue) =	ssetifvalue @!p0 $0x7FFFFFFF  }
0x20: {  	[tilespmem:s12], [sflag:$0x1] =	stream.indirect_vreg.gather @!p0 [hbm4b:s2+s14], $0x1, v0, vm0, $0x4038;
	[tilespmem:$0x80] =	vst v63  }
0x21: {  	s12 =	simm.s32 @!p0 $0x1  }
0x22: {  	_ =	swait.ge @!p0 [sflag:s12], $0x20  }
0x23: {  	s14 =	sshrl.u32 @!p0 s11, $0x3;
	[sflag:s12] =	ssyncset.done @!p0 $0x0  }
0x24: {  	s11 =	sand.u32 @!p0 $0x7, s11;
	[sflag:s12] =	ssyncadd.s32 @!p0 $0xFFFFFFE0;
	s12 =	sadd.s32 @!p0 s6, s14  }
0x25: {  	[hbm4b:s12+s11] =	stream.linear.scatter @!p0 [tilespmem:s13], [sflag:$0x3], $0x20, $0x38;
	[tilespmem:$0x80] =	vst v63  }
0x26: {  	s13 =	sadd.s32 $0x400, s10  }
0x27: {  	p1 =	sgt.s32 s13, $0x7FF  }
0x28: {  	s13 =	smov.u32 @p1 s3;
	p1 =	sne.s32 s9, s7  }
.Ltmp0:
0x29: {  	p0 =	slt.u32 s9, $0x2;
	(pc) =	sbr.rel @p1 .LBB2_1-.Ltmp0, $4  }
0x2a: {  	s12 =	simm.s32 @!p0 $0x3  }
0x2b: {  	_ =	swait.ge @!p0 [sflag:s12], $0x20  }
0x2c: {  	s8 =	sadd.s32 $0x20, s8;
	s11 =	smov.u32 s10;
	[sflag:s12] =	ssyncset.done @!p0 $0x0  }
0x2d: {  	s9 =	sadd.s32 $0x1, s9;
	s10 =	smov.u32 s13;
	[sflag:s12] =	ssyncadd.s32 @!p0 $0xFFFFFFE0  }
0x2e: {  	_ =	sfence.sel $0x180000  }
0x2f: {  	s2 =	simm.s32 $0x2;
	[bflag:$0x0] =	sbarrier.arrive $0xFFFF  }
0x30: {  	s30 =	simm.s32 $0x3;
	[sflag:s2] =	ssyncpa.u1 $0x1  }
0x31: {  	s31 =	simm.s32 $0x1;
	[sflag:s30] =	ssyncpa.u1 $0x1  }
0x32: {  	[sflag:s31] =	ssyncpa.u1 $0x1  }
0x33: {  	p0 =	sne.s32 s0, $0x0;
	_ =	strace $0x90000047  }
0x34: {  	s0 =	sadd.s32 @!p0 $0x100000, s1;
	[bflag:$0x2] =	sbarrier.arrive $0xFFFF  }
0x35: {  	[sflag:s0] =	ssyncadd.tile.s32 @!p0 $0x1;
	_ =	shalt  }
.Lfunc_end2:
_tile_overlayer_lowered:
.L_overlay_start_2:
0x36: {  	(tag) =	ssettag $0x2  }
0x37: {  	s0 =	rddreg [dreg:$0x0];
	s2 =	stileid.u32  }
0x38: {  	s1 =	rddreg [dreg:$0x1];
	p0 =	sne.s32 s2, $0x0  }
0x39: {  	s3 =	rddreg [dreg:$0x2];
	[bflag:$0x3] =	sbarrier.arrive $0xFFFF;
	s2 =	simm.s32 @!p0 $0x1C01  }
0x3a: {  	[timem:s3], [sflag:s2] =	dma.local @!p0 [hbm:s0], s1  }
0x3b: {  	s0 =	simm.s32 @!p0 $0x1  }
0x3c: {  	_ =	swait.ge @!p0 [sflag:s0], s1  }
0x3d: {  	s1 =	ssub.s32 @!p0 $0x0, s1;
	[sflag:s0] =	ssyncset.done @!p0 $0x0  }
0x3e: {  	[sflag:s0] =	ssyncadd.s32 @!p0 s1  }
0x3f: {  	[bflag:$0x3] =	sbarrier.arrive $0xFFFF  }
0x40: {  	_ =	shalt  }

</sc_bundles>
